<compile_context>
chip_gen: v7x
topology: tpu7x:2x2x1
jax: 0.10.2.dev20260603
libtpu: 0.0.44.dev20260713+nightly
codegen_flags: <defaults>
</compile_context>

<pallas_src>
import functools

import jax
import jax.numpy as jnp
from jax import lax
from jax.experimental import pallas as pl
from jax.experimental.pallas import tpu as pltpu
from jax.experimental.pallas import tpu_sc as plsc

_BN_EPS = 1e-5
_NSC = 2
_NTILES = 16
_NW = _NSC * _NTILES
_ROWS = 128


@functools.lru_cache(maxsize=None)
def _make_segsum(n, d, k, npad):
    rpt = npad // _NTILES
    n_zero = rpt // _ROWS

    def body(table_hbm, src_hbm, dst_hbm, out_hbm, src_v, dst_v, rows_a,
             rows_b, acc, sem_a, sem_b, sem_sa, sem_sb):
        cid = lax.axis_index("c")
        sid = lax.axis_index("s")
        wid = sid * _NSC + cid

        zvec = jnp.zeros((16,), jnp.float32)

        def zrow(i, carry):
            for l in range(d // 16):
                rows_a[i, pl.ds(l * 16, 16)] = zvec
            return carry

        lax.fori_loop(0, _ROWS, zrow, 0)
        for z in range(n_zero):
            pltpu.sync_copy(rows_a, acc.at[pl.ds(sid * rpt + z * _ROWS, _ROWS)])
        plsc.subcore_barrier()

        w_rows = k // 2

        def wait_g(buf, sem):
            pltpu.make_async_copy(table_hbm.at[src_v.at[0]], buf, sem).wait()

        def wait_s(buf, sem):
            pltpu.make_async_copy(buf, acc.at[dst_v.at[0]], sem).wait()

        def window(w, carry):
            pltpu.sync_copy(src_hbm.at[wid, pl.ds(w * w_rows, w_rows)], src_v)
            pltpu.sync_copy(dst_hbm.at[wid, pl.ds(w * w_rows, w_rows)], dst_v)

            pltpu.async_copy(table_hbm.at[src_v.at[0]], rows_a, sem_a)

            def chunk2(jj, c2):
                j = 2 * jj
                wait_g(rows_a, sem_a)

                @pl.when(jj > 0)
                def _():
                    wait_s(rows_b, sem_sb)

                pltpu.async_copy(table_hbm.at[src_v.at[j + 1]], rows_b, sem_b)
                pltpu.async_copy(rows_a, acc.at[dst_v.at[j]], sem_sa, add=True)
                wait_g(rows_b, sem_b)
                wait_s(rows_a, sem_sa)

                @pl.when(jj < w_rows // 2 - 1)
                def _():
                    pltpu.async_copy(table_hbm.at[src_v.at[j + 2]], rows_a,
                                     sem_a)

                pltpu.async_copy(rows_b, acc.at[dst_v.at[j + 1]], sem_sb,
                                 add=True)
                return c2

            lax.fori_loop(0, w_rows // 2, chunk2, 0)
            wait_s(rows_b, sem_sb)
            return carry

        lax.fori_loop(0, 2, window, 0)
        plsc.subcore_barrier()

        pltpu.sync_copy(acc.at[pl.ds(sid * rpt, rpt)],
                        out_hbm.at[cid, pl.ds(sid * rpt, rpt)])

    return pl.kernel(
        body,
        out_type=jax.ShapeDtypeStruct((_NSC, npad, d), jnp.float32),
        mesh=plsc.VectorSubcoreMesh(core_axis_name="c", subcore_axis_name="s"),
        scratch_types=[
            pltpu.VMEM((k // 2, _ROWS), jnp.int32),
            pltpu.VMEM((k // 2, _ROWS), jnp.int32),
            pltpu.VMEM((_ROWS, d), jnp.float32),
            pltpu.VMEM((_ROWS, d), jnp.float32),
            pltpu.VMEM_SHARED((npad, d), jnp.float32),
            pltpu.SemaphoreType.DMA,
            pltpu.SemaphoreType.DMA,
            pltpu.SemaphoreType.DMA,
            pltpu.SemaphoreType.DMA,
        ],
    )


def _segsum(table, src3, dst3, npad):
    n, d = table.shape
    k = src3.shape[1]
    return _make_segsum(n, d, k, npad)(table, src3, dst3)


def _mlp1_body(x_ref, parts_ref, w1_ref, b1_ref, g1_ref, bb1_ref, w2_ref,
               b2_ref, o_ref):
    h = x_ref[...] + parts_ref[0] + parts_ref[1]
    t = lax.dot_general(h, w1_ref[...], (((1,), (1,)), ((), ())),
                        preferred_element_type=jnp.float32)
    t = t + b1_ref[...]
    s = g1_ref[...] / jnp.sqrt(1.0 + _BN_EPS)
    t = jnp.maximum(t * s + bb1_ref[...], 0.0)
    t = lax.dot_general(t, w2_ref[...], (((1,), (1,)), ((), ())),
                        preferred_element_type=jnp.float32)
    o_ref[...] = jnp.maximum(t + b2_ref[...], 0.0)


def _mlp2_body(nb, h_ref, parts_ref, w_ref, b_ref, g_ref, bb_ref, batch_ref,
               o_ref):
    i = pl.program_id(0)
    h = h_ref[...] + parts_ref[0] + parts_ref[1]
    t = lax.dot_general(h, w_ref[...], (((1,), (1,)), ((), ())),
                        preferred_element_type=jnp.float32)
    s = g_ref[...] / jnp.sqrt(1.0 + _BN_EPS)
    hh = jnp.maximum((t + b_ref[...]) * s + bb_ref[...], 0.0)
    bi = batch_ref[0, 0, :]
    onehot = (lax.broadcasted_iota(jnp.int32, (nb, bi.shape[0]), 0)
              == bi[None, :]).astype(jnp.float32)
    acc = lax.dot_general(onehot, hh, (((1,), (0,)), ((), ())),
                          preferred_element_type=jnp.float32,
                          precision=lax.Precision.HIGHEST)

    @pl.when(i == 0)
    def _():
        o_ref[...] = jnp.zeros_like(o_ref)

    o_ref[...] += acc


def _sigma_max(w, n_square):
    a = lax.dot_general(w, w, (((1,), (1,)), ((), ())),
                        preferred_element_type=jnp.float32,
                        precision=lax.Precision.HIGHEST)

    b = a * lax.rsqrt(jnp.sum(a * a))
    for _ in range(n_square):
        b = lax.dot_general(b, b, (((1,), (0,)), ((), ())),
                            preferred_element_type=jnp.float32,
                            precision=lax.Precision.HIGHEST)
        b = b * lax.rsqrt(jnp.sum(b * b))
    ba = lax.dot_general(b, a, (((1,), (0,)), ((), ())),
                         preferred_element_type=jnp.float32,
                         precision=lax.Precision.HIGHEST)
    lam = jnp.sum(ba * b) / jnp.sum(b * b)
    return jnp.sqrt(lam)


def _head_body(nb, nf, p, g_struct_ref, dgx_ref, dgy_ref, msk_ref, w1x_ref,
               w1y_ref, pb1_ref, w2_ref, pb2_ref, rw1_ref, rb1_ref, rw2_ref,
               rb2_ref, f1w_ref, f1b_ref, f2w_ref, f2b_ref, o_ref):
    feats = []
    for f in range(nf):
        x1 = (dgx_ref[f][:, None] * w1x_ref[f][None, :]
              + dgy_ref[f][:, None] * w1y_ref[f][None, :]
              + pb1_ref[f][None, :])
        x1 = jnp.maximum(x1, 0.0)
        x2 = lax.dot_general(x1, w2_ref[f], (((1,), (1,)), ((), ())),
                             preferred_element_type=jnp.float32)
        x2 = x2 + pb2_ref[f][None, :]
        x2 = jnp.where(msk_ref[f][:, None] > 0.5, x2, -jnp.inf)
        m = jnp.max(x2.reshape(nb, p, x2.shape[1]), axis=1)
        feats.append(jnp.where(m == -jnp.inf, 0.0, m))
    feat = jnp.concatenate(feats, axis=1)
    r = jnp.maximum(
        lax.dot_general(feat, rw1_ref[...], (((1,), (1,)), ((), ())),
                        preferred_element_type=jnp.float32) + rb1_ref[...], 0.0)
    gp = lax.dot_general(r, rw2_ref[...], (((1,), (1,)), ((), ())),
                         preferred_element_type=jnp.float32) + rb2_ref[...]

    sig1 = _sigma_max(f1w_ref[...], 12)
    w0 = f2w_ref[0, :]
    w1 = f2w_ref[1, :]
    ga = jnp.sum(w0 * w0)
    gb = jnp.sum(w0 * w1)
    gc = jnp.sum(w1 * w1)
    lam2 = 0.5 * (ga + gc) + jnp.sqrt(0.25 * (ga - gc) ** 2 + gb * gb)
    sig2 = jnp.sqrt(lam2)

    g = jnp.concatenate([g_struct_ref[...], gp], axis=1)
    z = lax.dot_general(g, f1w_ref[...] / sig1, (((1,), (1,)), ((), ())),
                        preferred_element_type=jnp.float32) + f1b_ref[...]
    e = jnp.where(z > 0.0, z, jnp.exp(z) - 1.0)
    out = lax.dot_general(e, f2w_ref[...] / sig2, (((1,), (1,)), ((), ())),
                          preferred_element_type=jnp.float32) + f2b_ref[...]
    o_ref[...] = out


def kernel(x, edge_index, batch, diagrams_batch, masks_batch, params):
    n, d = x.shape
    e = edge_index.shape[1]
    nb, nf, p, _ = diagrams_batch.shape
    h_dim = params["c1_W1"].shape[0]

    npad = 2048 * ((n + _ROWS + 2047) // 2048)
    k = -(-e // (_NW * _ROWS))
    k += (-k) % 4
    ep = _NW * _ROWS * k
    pad = ep - e
    idx_pad = jnp.arange(pad, dtype=jnp.int32)
    src_p = jnp.concatenate([edge_index[0], idx_pad % n])
    dst_p = jnp.concatenate([edge_index[1], n + idx_pad % (npad - n)])
    src3 = src_p.reshape(_NW, k, _ROWS)
    dst3 = dst_p.reshape(_NW, k, _ROWS)

    parts1 = _segsum(x, src3, dst3, npad)

    r = 1000
    grid = (n // r,)
    full = lambda i: (0, 0)
    row_spec = pl.BlockSpec((r, d), lambda i: (i, 0))
    parts_spec = pl.BlockSpec((_NSC, r, d), lambda i: (0, i, 0))
    vec = lambda: pl.BlockSpec((1, h_dim), full)
    h1 = pl.pallas_call(
        _mlp1_body,
        grid=grid,
        in_specs=[row_spec, parts_spec,
                  pl.BlockSpec((h_dim, d), full), vec(), vec(), vec(),
                  pl.BlockSpec((h_dim, h_dim), full), vec()],
        out_specs=pl.BlockSpec((r, h_dim), lambda i: (i, 0)),
        out_shape=jax.ShapeDtypeStruct((n, h_dim), jnp.float32),
    )(x, parts1, params["c1_W1"], params["c1_b1"].reshape(1, -1),
      params["c1_bn_g"].reshape(1, -1), params["c1_bn_b"].reshape(1, -1),
      params["c1_W2"], params["c1_b2"].reshape(1, -1))

    parts2 = _segsum(h1, src3, dst3, npad)

    batch3 = batch.reshape(n // r, 1, r)
    g_struct = pl.pallas_call(
        functools.partial(_mlp2_body, nb),
        grid=grid,
        in_specs=[row_spec, parts_spec,
                  pl.BlockSpec((h_dim, h_dim), full), vec(), vec(), vec(),
                  pl.BlockSpec((1, 1, r), lambda i: (i, 0, 0))],
        out_specs=pl.BlockSpec((nb, h_dim), full),
        out_shape=jax.ShapeDtypeStruct((nb, h_dim), jnp.float32),
    )(h1, parts2, params["c2_W"], params["c2_b"].reshape(1, -1),
      params["c2_bn_g"].reshape(1, -1), params["c2_bn_b"].reshape(1, -1),
      batch3)

    diag = diagrams_batch.transpose(1, 0, 2, 3).reshape(nf, nb * p, 2)
    dgx = diag[:, :, 0]
    dgy = diag[:, :, 1]
    msk = masks_batch.transpose(1, 0, 2).reshape(nf, nb * p).astype(jnp.float32)
    nk = params["pl_W1"].shape[1]
    nc = params["fc2_W"].shape[0]
    w1x = params["pl_W1"][:, :, 0]
    w1y = params["pl_W1"][:, :, 1]

    out = pl.pallas_call(
        functools.partial(_head_body, nb, nf, p),
        out_shape=jax.ShapeDtypeStruct((nb, nc), jnp.float32),
    )(g_struct, dgx, dgy, msk, w1x, w1y, params["pl_b1"], params["pl_W2"],
      params["pl_b2"], params["rho_W1"], params["rho_b1"].reshape(1, -1),
      params["rho_W2"], params["rho_b2"].reshape(1, -1), params["fc1_W"],
      params["fc1_b"].reshape(1, -1), params["fc2_W"],
      params["fc2_b"].reshape(1, -1))
    return out

# --- scband reference (transcript-rebuilt; emitter-appended) ---
"""Pipeline reference for scband-perslay-gin-hk-79147657331005 (READ-ONLY COPY).

The authoritative reference and input builder live on the scoring server;
editing this copy changes nothing except your own understanding.
"""

import jax, jax.numpy as jnp
import numpy as np

N = 10000
E = 320000
D = 128
H = 128
B = 64
NF = 4
P = 128
NC = 2
BN_EPS = 1e-5


def _lin(k, out_d, in_d):
    s = 1.0 / np.sqrt(in_d)
    k1, k2 = jax.random.split(k)
    W = jax.random.uniform(k1, (out_d, in_d), jnp.float32, -s, s)
    b = jax.random.uniform(k2, (out_d,), jnp.float32, -s, s)
    return W, b


def _init_params(key):
    ks = jax.random.split(key, 12)
    p = {}
    p['c1_W1'], p['c1_b1'] = _lin(ks[0], H, D)
    p['c1_bn_g'] = jnp.ones((H,), jnp.float32)
    p['c1_bn_b'] = jnp.zeros((H,), jnp.float32)
    p['c1_W2'], p['c1_b2'] = _lin(ks[1], H, H)
    p['c2_W'], p['c2_b'] = _lin(ks[2], H, H)
    p['c2_bn_g'] = jnp.ones((H,), jnp.float32)
    p['c2_bn_b'] = jnp.zeros((H,), jnp.float32)
    s1 = 1.0 / np.sqrt(2.0)
    p['pl_W1'] = jax.random.uniform(ks[3], (NF, 25, 2), jnp.float32, -s1, s1)
    p['pl_b1'] = jax.random.uniform(ks[4], (NF, 25), jnp.float32, -s1, s1)
    s2 = 1.0 / np.sqrt(25.0)
    p['pl_W2'] = jax.random.uniform(ks[5], (NF, 25, 25), jnp.float32, -s2, s2)
    p['pl_b2'] = jax.random.uniform(ks[6], (NF, 25), jnp.float32, -s2, s2)
    p['rho_W1'], p['rho_b1'] = _lin(ks[7], H, NF * 25)
    p['rho_W2'], p['rho_b2'] = _lin(ks[8], H, H)
    p['fc1_W'], p['fc1_b'] = _lin(ks[9], 128, 2 * H)
    p['fc2_W'], p['fc2_b'] = _lin(ks[10], NC, 128)
    return p


def setup_inputs(seed: int = 0):
    key = jax.random.key(seed)
    ks = jax.random.split(key, 6)
    x = jax.random.normal(ks[0], (N, D), jnp.float32)
    edge_index = jax.random.randint(ks[1], (2, E), 0, N, jnp.int32)
    batch = jnp.sort(jax.random.randint(ks[2], (N,), 0, B, jnp.int32))
    diagrams_batch = jax.random.uniform(ks[3], (B, NF, P, 2), jnp.float32)
    masks_batch = jax.random.randint(ks[4], (B, NF, P), 0, 2) > 0
    params = _init_params(ks[5])
    return {'x': x, 'edge_index': edge_index, 'batch': batch,
            'diagrams_batch': diagrams_batch, 'masks_batch': masks_batch,
            'params': params}


def _bn_eval(h, g, b):
    # running_mean=0, running_var=1 (init defaults, eval mode)
    return h * (g / jnp.sqrt(1.0 + BN_EPS)) + b


def _sn(W):
    sigma = jnp.linalg.svd(W, compute_uv=False)[0]
    return W / sigma


def _forward(x, diagrams_batch, params, edge_index, batch, masks_batch):
    src = edge_index[0]
    dst = edge_index[1]
    # GIN conv1: (1+eps)*x + sum_{neighbors}, eps=0
    agg = jax.ops.segment_sum(x[src], dst, num_segments=N)
    h = x + agg
    t = h @ params['c1_W1'].T + params['c1_b1']
    t = _bn_eval(t, params['c1_bn_g'], params['c1_bn_b'])
    t = jax.nn.relu(t)
    t = t @ params['c1_W2'].T + params['c1_b2']
    h = jax.nn.relu(t)  # inner ReLU + outer F.relu (idempotent)
    # dropout p=0.5 is identity in eval mode
    # GIN conv2
    agg2 = jax.ops.segment_sum(h[src], dst, num_segments=N)
    h2 = h + agg2
    t = h2 @ params['c2_W'].T + params['c2_b']
    t = _bn_eval(t, params['c2_bn_g'], params['c2_bn_b'])
    h = jax.nn.relu(t)
    g_struct = jax.ops.segment_sum(h, batch, num_segments=B)
    # Perslay branch (vectorized over filtrations)
    x1 = jnp.einsum('bfpc,fkc->bfpk', diagrams_batch, params['pl_W1']) + params['pl_b1'][None, :, None, :]
    x1 = jax.nn.relu(x1)
    x2 = jnp.einsum('bfpk,fjk->bfpj', x1, params['pl_W2']) + params['pl_b2'][None, :, None, :]
    masked = jnp.where(masks_batch[..., None], x2, -jnp.inf)
    m = jnp.max(masked, axis=2)  # (B, NF, 25)
    m = jnp.nan_to_num(m, nan=0.0, posinf=0.0, neginf=0.0)
    feat = m.reshape(B, NF * 25)
    r = jax.nn.relu(feat @ params['rho_W1'].T + params['rho_b1'])
    g_perslay = r @ params['rho_W2'].T + params['rho_b2']
    # head with spectral-normalized linears
    g = jnp.concatenate([g_struct, g_perslay], axis=1)
    g = jax.nn.elu(g @ _sn(params['fc1_W']).T + params['fc1_b'])
    out = g @ _sn(params['fc2_W']).T + params['fc2_b']
    return out


def reference(x, edge_index, batch, diagrams_batch, masks_batch, params):
    return _forward(x, diagrams_batch, params, edge_index, batch, masks_batch)

if __name__ == "__main__":
    import jax
    _d = setup_inputs()
    print(jax.jit(kernel)(*tuple(_d.values())))

</pallas_src>

<mosaic_0001>
#map = affine_map<(d0, d1) -> (0, 0)>
#map1 = affine_map<(d0, d1) -> (0, 0, 0)>
module attributes {stable_mosaic.version = 14 : i64} {
  func.func @body(%arg0: i32, %arg1: i32, %arg2: memref<10000x128xf32, #tpu.memory_space<hbm>>, %arg3: memref<32x80x128xi32, #tpu.memory_space<hbm>>, %arg4: memref<32x80x128xi32, #tpu.memory_space<hbm>>, %arg5: memref<2x10240x128xf32, #tpu.memory_space<hbm>>, %arg6: memref<40x128xi32, #tpu.memory_space<vmem>>, %arg7: memref<40x128xi32, #tpu.memory_space<vmem>>, %arg8: memref<128x128xf32, #tpu.memory_space<vmem>>, %arg9: memref<128x128xf32, #tpu.memory_space<vmem>>, %arg10: memref<10240x128xf32, #tpu.memory_space<vmem_shared>>, %arg11: memref<!tpu.dma_semaphore, #tpu.memory_space<semaphore_mem>>, %arg12: memref<!tpu.dma_semaphore, #tpu.memory_space<semaphore_mem>>, %arg13: memref<!tpu.dma_semaphore, #tpu.memory_space<semaphore_mem>>, %arg14: memref<!tpu.dma_semaphore, #tpu.memory_space<semaphore_mem>>) attributes {dimension_semantics = [#tpu.dimension_semantics<core_parallel>, #tpu.dimension_semantics<subcore_parallel>], iteration_bounds = array<i64: 2, 16>, scalar_prefetch = 0 : i64, scratch_operands = 9 : i64, tpu.core_type = #tpu.core_type<sc_vector_subcore>, window_params = [{transform_indices = #map}, {transform_indices = #map1}, {transform_indices = #map1}, {transform_indices = #map1}]} {
    %mul3A = arith.constant 2 : i32
    %mul3A_0 = arith.muli %arg1, %mul3A : i32
    %add3A = arith.addi %mul3A_0, %arg0 : i32
    %broadcast_in_dim3A = arith.constant 0.000000e+00 : f32
    %broadcast_in_dim3A_1 = vector.broadcast %broadcast_in_dim3A : f32 to vector<16xf32>
    %scan3A = arith.constant 0 : i32
    %scan3A_2 = arith.constant 0 : i32
    %scan3A_3 = arith.constant 128 : i32
    %scan3A_4 = arith.addi %scan3A_2, %scan3A_3 : i32
    %scan3A_5 = arith.constant 1 : i32
    scf.for %scan3A_38 = %scan3A_2 to %scan3A_4 step %scan3A_5  : i32 {
      %swap3A = arith.index_cast %scan3A_38 : i32 to index
      %swap3A_39 = arith.constant 0 : index
      %swap3A_40 = tpu.vector_load %arg8[%swap3A, %swap3A_39] {strides = array<i32>} : memref<128x128xf32, #tpu.memory_space<vmem>>, vector<1x16xf32>,
      %swap3A_41 = vector.shape_cast %swap3A_40 : vector<1x16xf32> to vector<16xf32>
      %swap3A_42 = vector.shape_cast %broadcast_in_dim3A_1 : vector<16xf32> to vector<1x16xf32>
      tpu.vector_store %arg8[%swap3A, %swap3A_39], %swap3A_42 {strides = array<i32>} : memref<128x128xf32, #tpu.memory_space<vmem>>, vector<1x16xf32>,
      %swap3A_43 = arith.index_cast %scan3A_38 : i32 to index
      %swap3A_44 = arith.constant 16 : index
      %swap3A_45 = tpu.vector_load %arg8[%swap3A_43, %swap3A_44] {strides = array<i32>} : memref<128x128xf32, #tpu.memory_space<vmem>>, vector<1x16xf32>,
      %swap3A_46 = vector.shape_cast %swap3A_45 : vector<1x16xf32> to vector<16xf32>
      %swap3A_47 = vector.shape_cast %broadcast_in_dim3A_1 : vector<16xf32> to vector<1x16xf32>
      tpu.vector_store %arg8[%swap3A_43, %swap3A_44], %swap3A_47 {strides = array<i32>} : memref<128x128xf32, #tpu.memory_space<vmem>>, vector<1x16xf32>,
      %swap3A_48 = arith.index_cast %scan3A_38 : i32 to index
      %swap3A_49 = arith.constant 32 : index
      %swap3A_50 = tpu.vector_load %arg8[%swap3A_48, %swap3A_49] {strides = array<i32>} : memref<128x128xf32, #tpu.memory_space<vmem>>, vector<1x16xf32>,
      %swap3A_51 = vector.shape_cast %swap3A_50 : vector<1x16xf32> to vector<16xf32>
      %swap3A_52 = vector.shape_cast %broadcast_in_dim3A_1 : vector<16xf32> to vector<1x16xf32>
      tpu.vector_store %arg8[%swap3A_48, %swap3A_49], %swap3A_52 {strides = array<i32>} : memref<128x128xf32, #tpu.memory_space<vmem>>, vector<1x16xf32>,
      %swap3A_53 = arith.index_cast %scan3A_38 : i32 to index
      %swap3A_54 = arith.constant 48 : index
      %swap3A_55 = tpu.vector_load %arg8[%swap3A_53, %swap3A_54] {strides = array<i32>} : memref<128x128xf32, #tpu.memory_space<vmem>>, vector<1x16xf32>,
      %swap3A_56 = vector.shape_cast %swap3A_55 : vector<1x16xf32> to vector<16xf32>
      %swap3A_57 = vector.shape_cast %broadcast_in_dim3A_1 : vector<16xf32> to vector<1x16xf32>
      tpu.vector_store %arg8[%swap3A_53, %swap3A_54], %swap3A_57 {strides = array<i32>} : memref<128x128xf32, #tpu.memory_space<vmem>>, vector<1x16xf32>,
      %swap3A_58 = arith.index_cast %scan3A_38 : i32 to index
      %swap3A_59 = arith.constant 64 : index
      %swap3A_60 = tpu.vector_load %arg8[%swap3A_58, %swap3A_59] {strides = array<i32>} : memref<128x128xf32, #tpu.memory_space<vmem>>, vector<1x16xf32>,
      %swap3A_61 = vector.shape_cast %swap3A_60 : vector<1x16xf32> to vector<16xf32>
      %swap3A_62 = vector.shape_cast %broadcast_in_dim3A_1 : vector<16xf32> to vector<1x16xf32>
      tpu.vector_store %arg8[%swap3A_58, %swap3A_59], %swap3A_62 {strides = array<i32>} : memref<128x128xf32, #tpu.memory_space<vmem>>, vector<1x16xf32>,
      %swap3A_63 = arith.index_cast %scan3A_38 : i32 to index
      %swap3A_64 = arith.constant 80 : index
      %swap3A_65 = tpu.vector_load %arg8[%swap3A_63, %swap3A_64] {strides = array<i32>} : memref<128x128xf32, #tpu.memory_space<vmem>>, vector<1x16xf32>,
      %swap3A_66 = vector.shape_cast %swap3A_65 : vector<1x16xf32> to vector<16xf32>
      %swap3A_67 = vector.shape_cast %broadcast_in_dim3A_1 : vector<16xf32> to vector<1x16xf32>
      tpu.vector_store %arg8[%swap3A_63, %swap3A_64], %swap3A_67 {strides = array<i32>} : memref<128x128xf32, #tpu.memory_space<vmem>>, vector<1x16xf32>,
      %swap3A_68 = arith.index_cast %scan3A_38 : i32 to index
      %swap3A_69 = arith.constant 96 : index
      %swap3A_70 = tpu.vector_load %arg8[%swap3A_68, %swap3A_69] {strides = array<i32>} : memref<128x128xf32, #tpu.memory_space<vmem>>, vector<1x16xf32>,
      %swap3A_71 = vector.shape_cast %swap3A_70 : vector<1x16xf32> to vector<16xf32>
      %swap3A_72 = vector.shape_cast %broadcast_in_dim3A_1 : vector<16xf32> to vector<1x16xf32>
      tpu.vector_store %arg8[%swap3A_68, %swap3A_69], %swap3A_72 {strides = array<i32>} : memref<128x128xf32, #tpu.memory_space<vmem>>, vector<1x16xf32>,
      %swap3A_73 = arith.index_cast %scan3A_38 : i32 to index
      %swap3A_74 = arith.constant 112 : index
      %swap3A_75 = tpu.vector_load %arg8[%swap3A_73, %swap3A_74] {strides = array<i32>} : memref<128x128xf32, #tpu.memory_space<vmem>>, vector<1x16xf32>,
      %swap3A_76 = vector.shape_cast %swap3A_75 : vector<1x16xf32> to vector<16xf32>
      %swap3A_77 = vector.shape_cast %broadcast_in_dim3A_1 : vector<16xf32> to vector<1x16xf32>
      tpu.vector_store %arg8[%swap3A_73, %swap3A_74], %swap3A_77 {strides = array<i32>} : memref<128x128xf32, #tpu.memory_space<vmem>>, vector<1x16xf32>,
    }
    %scan3A_6 = arith.constant 128 : i32
    %mul3A_7 = arith.constant 640 : i32
    %mul3A_8 = arith.muli %arg1, %mul3A_7 : i32
    %add3A_9 = arith.constant 0 : i32
    %add3A_10 = arith.addi %mul3A_8, %add3A_9 : i32
    "tpu.region"() ({
      %run_scoped3A = tpu.sem_alloc : memref<!tpu.dma_semaphore, #tpu.memory_space<semaphore_mem>>
      %dma_start3A = arith.constant 0 : i32
      %dma_start3A_38 = tpu.memref_slice %arg10[%add3A_10, %dma_start3A] : memref<10240x128xf32, #tpu.memory_space<vmem_shared>> -> memref<128x128xf32, #tpu.memory_space<vmem_shared>>
      %dma_start3A_39 = arith.constant 0 : i32
      %dma_start3A_40 = tpu.memref_slice %arg10[%add3A_10, %dma_start3A_39] : memref<10240x128xf32, #tpu.memory_space<vmem_shared>> -> memref<128x128xf32, #tpu.memory_space<vmem_shared>>
      tpu.enqueue_dma source(%arg8 : memref<128x128xf32, #tpu.memory_space<vmem>>) target(%dma_start3A_40 : memref<128x128xf32, #tpu.memory_space<vmem_shared>>) target_semaphore(%run_scoped3A : memref<!tpu.dma_semaphore, #tpu.memory_space<semaphore_mem>>)
      %dma_wait3A = arith.constant 0 : i32
      %dma_wait3A_41 = tpu.memref_slice %arg10[%add3A_10, %dma_wait3A] : memref<10240x128xf32, #tpu.memory_space<vmem_shared>> -> memref<128x128xf32, #tpu.memory_space<vmem_shared>>
      %dma_wait3A_42 = arith.constant 0 : i32
      %dma_wait3A_43 = tpu.memref_slice %arg10[%add3A_10, %dma_wait3A_42] : memref<10240x128xf32, #tpu.memory_space<vmem_shared>> -> memref<128x128xf32, #tpu.memory_space<vmem_shared>>
      tpu.wait_dma2 semaphore(%run_scoped3A : memref<!tpu.dma_semaphore, #tpu.memory_space<semaphore_mem>>) src(%arg8 : memref<128x128xf32, #tpu.memory_space<vmem>>) dst(%dma_wait3A_43 : memref<128x128xf32, #tpu.memory_space<vmem_shared>>)
      tpu.yield
    }) : () -> ()
    %mul3A_11 = arith.constant 640 : i32
    %mul3A_12 = arith.muli %arg1, %mul3A_11 : i32
    %add3A_13 = arith.constant 128 : i32
    %add3A_14 = arith.addi %mul3A_12, %add3A_13 : i32
    "tpu.region"() ({
      %run_scoped3A = tpu.sem_alloc : memref<!tpu.dma_semaphore, #tpu.memory_space<semaphore_mem>>
      %dma_start3A = arith.constant 0 : i32
      %dma_start3A_38 = tpu.memref_slice %arg10[%add3A_14, %dma_start3A] : memref<10240x128xf32, #tpu.memory_space<vmem_shared>> -> memref<128x128xf32, #tpu.memory_space<vmem_shared>>
      %dma_start3A_39 = arith.constant 0 : i32
      %dma_start3A_40 = tpu.memref_slice %arg10[%add3A_14, %dma_start3A_39] : memref<10240x128xf32, #tpu.memory_space<vmem_shared>> -> memref<128x128xf32, #tpu.memory_space<vmem_shared>>
      tpu.enqueue_dma source(%arg8 : memref<128x128xf32, #tpu.memory_space<vmem>>) target(%dma_start3A_40 : memref<128x128xf32, #tpu.memory_space<vmem_shared>>) target_semaphore(%run_scoped3A : memref<!tpu.dma_semaphore, #tpu.memory_space<semaphore_mem>>)
      %dma_wait3A = arith.constant 0 : i32
      %dma_wait3A_41 = tpu.memref_slice %arg10[%add3A_14, %dma_wait3A] : memref<10240x128xf32, #tpu.memory_space<vmem_shared>> -> memref<128x128xf32, #tpu.memory_space<vmem_shared>>
      %dma_wait3A_42 = arith.constant 0 : i32
      %dma_wait3A_43 = tpu.memref_slice %arg10[%add3A_14, %dma_wait3A_42] : memref<10240x128xf32, #tpu.memory_space<vmem_shared>> -> memref<128x128xf32, #tpu.memory_space<vmem_shared>>
      tpu.wait_dma2 semaphore(%run_scoped3A : memref<!tpu.dma_semaphore, #tpu.memory_space<semaphore_mem>>) src(%arg8 : memref<128x128xf32, #tpu.memory_space<vmem>>) dst(%dma_wait3A_43 : memref<128x128xf32, #tpu.memory_space<vmem_shared>>)
      tpu.yield
    }) : () -> ()
    %mul3A_15 = arith.constant 640 : i32
    %mul3A_16 = arith.muli %arg1, %mul3A_15 : i32
    %add3A_17 = arith.constant 256 : i32
    %add3A_18 = arith.addi %mul3A_16, %add3A_17 : i32
    "tpu.region"() ({
      %run_scoped3A = tpu.sem_alloc : memref<!tpu.dma_semaphore, #tpu.memory_space<semaphore_mem>>
      %dma_start3A = arith.constant 0 : i32
      %dma_start3A_38 = tpu.memref_slice %arg10[%add3A_18, %dma_start3A] : memref<10240x128xf32, #tpu.memory_space<vmem_shared>> -> memref<128x128xf32, #tpu.memory_space<vmem_shared>>
      %dma_start3A_39 = arith.constant 0 : i32
      %dma_start3A_40 = tpu.memref_slice %arg10[%add3A_18, %dma_start3A_39] : memref<10240x128xf32, #tpu.memory_space<vmem_shared>> -> memref<128x128xf32, #tpu.memory_space<vmem_shared>>
      tpu.enqueue_dma source(%arg8 : memref<128x128xf32, #tpu.memory_space<vmem>>) target(%dma_start3A_40 : memref<128x128xf32, #tpu.memory_space<vmem_shared>>) target_semaphore(%run_scoped3A : memref<!tpu.dma_semaphore, #tpu.memory_space<semaphore_mem>>)
      %dma_wait3A = arith.constant 0 : i32
      %dma_wait3A_41 = tpu.memref_slice %arg10[%add3A_18, %dma_wait3A] : memref<10240x128xf32, #tpu.memory_space<vmem_shared>> -> memref<128x128xf32, #tpu.memory_space<vmem_shared>>
      %dma_wait3A_42 = arith.constant 0 : i32
      %dma_wait3A_43 = tpu.memref_slice %arg10[%add3A_18, %dma_wait3A_42] : memref<10240x128xf32, #tpu.memory_space<vmem_shared>> -> memref<128x128xf32, #tpu.memory_space<vmem_shared>>
      tpu.wait_dma2 semaphore(%run_scoped3A : memref<!tpu.dma_semaphore, #tpu.memory_space<semaphore_mem>>) src(%arg8 : memref<128x128xf32, #tpu.memory_space<vmem>>) dst(%dma_wait3A_43 : memref<128x128xf32, #tpu.memory_space<vmem_shared>>)
      tpu.yield
    }) : () -> ()
    %mul3A_19 = arith.constant 640 : i32
    %mul3A_20 = arith.muli %arg1, %mul3A_19 : i32
    %add3A_21 = arith.constant 384 : i32
    %add3A_22 = arith.addi %mul3A_20, %add3A_21 : i32
    "tpu.region"() ({
      %run_scoped3A = tpu.sem_alloc : memref<!tpu.dma_semaphore, #tpu.memory_space<semaphore_mem>>
      %dma_start3A = arith.constant 0 : i32
      %dma_start3A_38 = tpu.memref_slice %arg10[%add3A_22, %dma_start3A] : memref<10240x128xf32, #tpu.memory_space<vmem_shared>> -> memref<128x128xf32, #tpu.memory_space<vmem_shared>>
      %dma_start3A_39 = arith.constant 0 : i32
      %dma_start3A_40 = tpu.memref_slice %arg10[%add3A_22, %dma_start3A_39] : memref<10240x128xf32, #tpu.memory_space<vmem_shared>> -> memref<128x128xf32, #tpu.memory_space<vmem_shared>>
      tpu.enqueue_dma source(%arg8 : memref<128x128xf32, #tpu.memory_space<vmem>>) target(%dma_start3A_40 : memref<128x128xf32, #tpu.memory_space<vmem_shared>>) target_semaphore(%run_scoped3A : memref<!tpu.dma_semaphore, #tpu.memory_space<semaphore_mem>>)
      %dma_wait3A = arith.constant 0 : i32
      %dma_wait3A_41 = tpu.memref_slice %arg10[%add3A_22, %dma_wait3A] : memref<10240x128xf32, #tpu.memory_space<vmem_shared>> -> memref<128x128xf32, #tpu.memory_space<vmem_shared>>
      %dma_wait3A_42 = arith.constant 0 : i32
      %dma_wait3A_43 = tpu.memref_slice %arg10[%add3A_22, %dma_wait3A_42] : memref<10240x128xf32, #tpu.memory_space<vmem_shared>> -> memref<128x128xf32, #tpu.memory_space<vmem_shared>>
      tpu.wait_dma2 semaphore(%run_scoped3A : memref<!tpu.dma_semaphore, #tpu.memory_space<semaphore_mem>>) src(%arg8 : memref<128x128xf32, #tpu.memory_space<vmem>>) dst(%dma_wait3A_43 : memref<128x128xf32, #tpu.memory_space<vmem_shared>>)
      tpu.yield
    }) : () -> ()
    %mul3A_23 = arith.constant 640 : i32
    %mul3A_24 = arith.muli %arg1, %mul3A_23 : i32
    %add3A_25 = arith.constant 512 : i32
    %add3A_26 = arith.addi %mul3A_24, %add3A_25 : i32
    "tpu.region"() ({
      %run_scoped3A = tpu.sem_alloc : memref<!tpu.dma_semaphore, #tpu.memory_space<semaphore_mem>>
      %dma_start3A = arith.constant 0 : i32
      %dma_start3A_38 = tpu.memref_slice %arg10[%add3A_26, %dma_start3A] : memref<10240x128xf32, #tpu.memory_space<vmem_shared>> -> memref<128x128xf32, #tpu.memory_space<vmem_shared>>
      %dma_start3A_39 = arith.constant 0 : i32
      %dma_start3A_40 = tpu.memref_slice %arg10[%add3A_26, %dma_start3A_39] : memref<10240x128xf32, #tpu.memory_space<vmem_shared>> -> memref<128x128xf32, #tpu.memory_space<vmem_shared>>
      tpu.enqueue_dma source(%arg8 : memref<128x128xf32, #tpu.memory_space<vmem>>) target(%dma_start3A_40 : memref<128x128xf32, #tpu.memory_space<vmem_shared>>) target_semaphore(%run_scoped3A : memref<!tpu.dma_semaphore, #tpu.memory_space<semaphore_mem>>)
      %dma_wait3A = arith.constant 0 : i32
      %dma_wait3A_41 = tpu.memref_slice %arg10[%add3A_26, %dma_wait3A] : memref<10240x128xf32, #tpu.memory_space<vmem_shared>> -> memref<128x128xf32, #tpu.memory_space<vmem_shared>>
      %dma_wait3A_42 = arith.constant 0 : i32
      %dma_wait3A_43 = tpu.memref_slice %arg10[%add3A_26, %dma_wait3A_42] : memref<10240x128xf32, #tpu.memory_space<vmem_shared>> -> memref<128x128xf32, #tpu.memory_space<vmem_shared>>
      tpu.wait_dma2 semaphore(%run_scoped3A : memref<!tpu.dma_semaphore, #tpu.memory_space<semaphore_mem>>) src(%arg8 : memref<128x128xf32, #tpu.memory_space<vmem>>) dst(%dma_wait3A_43 : memref<128x128xf32, #tpu.memory_space<vmem_shared>>)
      tpu.yield
    }) : () -> ()
    %barrier3A = arith.constant 0 : index
    tpu.barrier barrier_id(%barrier3A)
    %scan3A_27 = arith.constant 0 : i32
    %scan3A_28 = arith.constant 0 : i32
    %scan3A_29 = arith.constant 2 : i32
    %scan3A_30 = arith.addi %scan3A_28, %scan3A_29 : i32
    %scan3A_31 = arith.constant 1 : i32
    scf.for %scan3A_38 = %scan3A_28 to %scan3A_30 step %scan3A_31  : i32 {
      %mul3A_39 = arith.constant 40 : i32
      %mul3A_40 = arith.muli %scan3A_38, %mul3A_39 : i32
      "tpu.region"() ({
        %run_scoped3A = tpu.sem_alloc : memref<!tpu.dma_semaphore, #tpu.memory_space<semaphore_mem>>
        %dma_start3A_61 = arith.constant 0 : i32
        %dma_start3A_62 = tpu.memref_slice %arg3[%add3A, %mul3A_40, %dma_start3A_61] : memref<32x80x128xi32, #tpu.memory_space<hbm>> -> memref<1x40x128xi32, #tpu.memory_space<hbm>>
        %dma_start3A_63 = tpu.memref_squeeze %dma_start3A_62 : memref<1x40x128xi32, #tpu.memory_space<hbm>> -> memref<40x128xi32, #tpu.memory_space<hbm>>
        %dma_start3A_64 = arith.constant 0 : i32
        %dma_start3A_65 = tpu.memref_slice %arg3[%add3A, %mul3A_40, %dma_start3A_64] : memref<32x80x128xi32, #tpu.memory_space<hbm>> -> memref<1x40x128xi32, #tpu.memory_space<hbm>>
        %dma_start3A_66 = tpu.memref_squeeze %dma_start3A_65 : memref<1x40x128xi32, #tpu.memory_space<hbm>> -> memref<40x128xi32, #tpu.memory_space<hbm>>
        tpu.enqueue_dma source(%dma_start3A_66 : memref<40x128xi32, #tpu.memory_space<hbm>>) target(%arg6 : memref<40x128xi32, #tpu.memory_space<vmem>>) target_semaphore(%run_scoped3A : memref<!tpu.dma_semaphore, #tpu.memory_space<semaphore_mem>>)
        %dma_wait3A_67 = arith.constant 0 : i32
        %dma_wait3A_68 = tpu.memref_slice %arg3[%add3A, %mul3A_40, %dma_wait3A_67] : memref<32x80x128xi32, #tpu.memory_space<hbm>> -> memref<1x40x128xi32, #tpu.memory_space<hbm>>
        %dma_wait3A_69 = tpu.memref_squeeze %dma_wait3A_68 : memref<1x40x128xi32, #tpu.memory_space<hbm>> -> memref<40x128xi32, #tpu.memory_space<hbm>>
        %dma_wait3A_70 = arith.constant 0 : i32
        %dma_wait3A_71 = tpu.memref_slice %arg3[%add3A, %mul3A_40, %dma_wait3A_70] : memref<32x80x128xi32, #tpu.memory_space<hbm>> -> memref<1x40x128xi32, #tpu.memory_space<hbm>>
        %dma_wait3A_72 = tpu.memref_squeeze %dma_wait3A_71 : memref<1x40x128xi32, #tpu.memory_space<hbm>> -> memref<40x128xi32, #tpu.memory_space<hbm>>
        tpu.wait_dma2 semaphore(%run_scoped3A : memref<!tpu.dma_semaphore, #tpu.memory_space<semaphore_mem>>) src(%dma_wait3A_72 : memref<40x128xi32, #tpu.memory_space<hbm>>) dst(%arg6 : memref<40x128xi32, #tpu.memory_space<vmem>>)
        tpu.yield
      }) : () -> ()
      %mul3A_41 = arith.constant 40 : i32
      %mul3A_42 = arith.muli %scan3A_38, %mul3A_41 : i32
      "tpu.region"() ({
        %run_scoped3A = tpu.sem_alloc : memref<!tpu.dma_semaphore, #tpu.memory_space<semaphore_mem>>
        %dma_start3A_61 = arith.constant 0 : i32
        %dma_start3A_62 = tpu.memref_slice %arg4[%add3A, %mul3A_42, %dma_start3A_61] : memref<32x80x128xi32, #tpu.memory_space<hbm>> -> memref<1x40x128xi32, #tpu.memory_space<hbm>>
        %dma_start3A_63 = tpu.memref_squeeze %dma_start3A_62 : memref<1x40x128xi32, #tpu.memory_space<hbm>> -> memref<40x128xi32, #tpu.memory_space<hbm>>
        %dma_start3A_64 = arith.constant 0 : i32
        %dma_start3A_65 = tpu.memref_slice %arg4[%add3A, %mul3A_42, %dma_start3A_64] : memref<32x80x128xi32, #tpu.memory_space<hbm>> -> memref<1x40x128xi32, #tpu.memory_space<hbm>>
        %dma_start3A_66 = tpu.memref_squeeze %dma_start3A_65 : memref<1x40x128xi32, #tpu.memory_space<hbm>> -> memref<40x128xi32, #tpu.memory_space<hbm>>
        tpu.enqueue_dma source(%dma_start3A_66 : memref<40x128xi32, #tpu.memory_space<hbm>>) target(%arg7 : memref<40x128xi32, #tpu.memory_space<vmem>>) target_semaphore(%run_scoped3A : memref<!tpu.dma_semaphore, #tpu.memory_space<semaphore_mem>>)
        %dma_wait3A_67 = arith.constant 0 : i32
        %dma_wait3A_68 = tpu.memref_slice %arg4[%add3A, %mul3A_42, %dma_wait3A_67] : memref<32x80x128xi32, #tpu.memory_space<hbm>> -> memref<1x40x128xi32, #tpu.memory_space<hbm>>
        %dma_wait3A_69 = tpu.memref_squeeze %dma_wait3A_68 : memref<1x40x128xi32, #tpu.memory_space<hbm>> -> memref<40x128xi32, #tpu.memory_space<hbm>>
        %dma_wait3A_70 = arith.constant 0 : i32
        %dma_wait3A_71 = tpu.memref_slice %arg4[%add3A, %mul3A_42, %dma_wait3A_70] : memref<32x80x128xi32, #tpu.memory_space<hbm>> -> memref<1x40x128xi32, #tpu.memory_space<hbm>>
        %dma_wait3A_72 = tpu.memref_squeeze %dma_wait3A_71 : memref<1x40x128xi32, #tpu.memory_space<hbm>> -> memref<40x128xi32, #tpu.memory_space<hbm>>
        tpu.wait_dma2 semaphore(%run_scoped3A : memref<!tpu.dma_semaphore, #tpu.memory_space<semaphore_mem>>) src(%dma_wait3A_72 : memref<40x128xi32, #tpu.memory_space<hbm>>) dst(%arg7 : memref<40x128xi32, #tpu.memory_space<vmem>>)
        tpu.yield
      }) : () -> ()
      %dma_start3A = arith.constant 0 : i32
      %dma_start3A_43 = arith.constant 0 : i32
      %dma_start3A_44 = tpu.memref_slice %arg6[%dma_start3A, %dma_start3A_43] : memref<40x128xi32, #tpu.memory_space<vmem>> -> memref<1x128xi32, #tpu.memory_space<vmem>>
      %dma_start3A_45 = tpu.memref_squeeze %dma_start3A_44 : memref<1x128xi32, #tpu.memory_space<vmem>> -> memref<128xi32, #tpu.memory_space<vmem>>
      %dma_start3A_46 = arith.constant 0 : i32
      %dma_start3A_47 = arith.constant 0 : i32
      %dma_start3A_48 = tpu.memref_slice %arg2[%dma_start3A_46, %dma_start3A_47] : memref<10000x128xf32, #tpu.memory_space<hbm>> -> memref<10000x128xf32, #tpu.memory_space<hbm>>
      tpu.enqueue_indirect_dma source(%dma_start3A_48 : memref<10000x128xf32, #tpu.memory_space<hbm>>) target(%arg8 : memref<128x128xf32, #tpu.memory_space<vmem>>) offsets(%dma_start3A_45 : memref<128xi32, #tpu.memory_space<vmem>>) semaphore(%arg11 : memref<!tpu.dma_semaphore, #tpu.memory_space<semaphore_mem>>)
      %scan3A_49 = arith.constant 0 : i32
      %scan3A_50 = arith.constant 0 : i32
      %scan3A_51 = arith.constant 20 : i32
      %scan3A_52 = arith.addi %scan3A_50, %scan3A_51 : i32
      %scan3A_53 = arith.constant 1 : i32
      scf.for %scan3A_61 = %scan3A_50 to %scan3A_52 step %scan3A_53  : i32 {
        %mul3A_62 = arith.constant 2 : i32
        %mul3A_63 = arith.muli %mul3A_62, %scan3A_61 : i32
        %dma_wait3A_64 = arith.constant 0 : i32
        %dma_wait3A_65 = arith.constant 0 : i32
        %dma_wait3A_66 = tpu.memref_slice %arg6[%dma_wait3A_64, %dma_wait3A_65] : memref<40x128xi32, #tpu.memory_space<vmem>> -> memref<1x128xi32, #tpu.memory_space<vmem>>
        %dma_wait3A_67 = tpu.memref_squeeze %dma_wait3A_66 : memref<1x128xi32, #tpu.memory_space<vmem>> -> memref<128xi32, #tpu.memory_space<vmem>>
        %dma_wait3A_68 = arith.constant 0 : i32
        %dma_wait3A_69 = arith.constant 0 : i32
        %dma_wait3A_70 = tpu.memref_slice %arg2[%dma_wait3A_68, %dma_wait3A_69] : memref<10000x128xf32, #tpu.memory_space<hbm>> -> memref<10000x128xf32, #tpu.memory_space<hbm>>
        tpu.wait_indirect_dma semaphore(%arg11 : memref<!tpu.dma_semaphore, #tpu.memory_space<semaphore_mem>>) src(%dma_wait3A_70 : memref<10000x128xf32, #tpu.memory_space<hbm>>) dst(%arg8 : memref<128x128xf32, #tpu.memory_space<vmem>>)
        %gt3A = arith.constant 0 : i32
        %gt3A_71 = arith.cmpi sgt, %scan3A_61, %gt3A : i32
        %convert_element_type3A = arith.extui %gt3A_71 : i1 to i32
        %cond3A = arith.constant 0 : i32
        %cond3A_72 = arith.cmpi ne, %convert_element_type3A, %cond3A : i32
        scf.if %cond3A_72 {
          %dma_wait3A_113 = arith.constant 0 : i32
          %dma_wait3A_114 = arith.constant 0 : i32
          %dma_wait3A_115 = tpu.memref_slice %arg7[%dma_wait3A_113, %dma_wait3A_114] : memref<40x128xi32, #tpu.memory_space<vmem>> -> memref<1x128xi32, #tpu.memory_space<vmem>>
          %dma_wait3A_116 = tpu.memref_squeeze %dma_wait3A_115 : memref<1x128xi32, #tpu.memory_space<vmem>> -> memref<128xi32, #tpu.memory_space<vmem>>
          %dma_wait3A_117 = arith.constant 0 : i32
          %dma_wait3A_118 = arith.constant 0 : i32
          %dma_wait3A_119 = tpu.memref_slice %arg10[%dma_wait3A_117, %dma_wait3A_118] : memref<10240x128xf32, #tpu.memory_space<vmem_shared>> -> memref<10240x128xf32, #tpu.memory_space<vmem_shared>>
          tpu.wait_indirect_dma semaphore(%arg14 : memref<!tpu.dma_semaphore, #tpu.memory_space<semaphore_mem>>) src(%arg9 : memref<128x128xf32, #tpu.memory_space<vmem>>) dst(%dma_wait3A_119 : memref<10240x128xf32, #tpu.memory_space<vmem_shared>>)
        } else {
        }
        %add3A_73 = arith.constant 1 : i32
        %add3A_74 = arith.addi %mul3A_63, %add3A_73 : i32
        %dma_start3A_75 = arith.constant 0 : i32
        %dma_start3A_76 = tpu.memref_slice %arg6[%add3A_74, %dma_start3A_75] : memref<40x128xi32, #tpu.memory_space<vmem>> -> memref<1x128xi32, #tpu.memory_space<vmem>>
        %dma_start3A_77 = tpu.memref_squeeze %dma_start3A_76 : memref<1x128xi32, #tpu.memory_space<vmem>> -> memref<128xi32, #tpu.memory_space<vmem>>
        %dma_start3A_78 = arith.constant 0 : i32
        %dma_start3A_79 = arith.constant 0 : i32
        %dma_start3A_80 = tpu.memref_slice %arg2[%dma_start3A_78, %dma_start3A_79] : memref<10000x128xf32, #tpu.memory_space<hbm>> -> memref<10000x128xf32, #tpu.memory_space<hbm>>
        tpu.enqueue_indirect_dma source(%dma_start3A_80 : memref<10000x128xf32, #tpu.memory_space<hbm>>) target(%arg9 : memref<128x128xf32, #tpu.memory_space<vmem>>) offsets(%dma_start3A_77 : memref<128xi32, #tpu.memory_space<vmem>>) semaphore(%arg12 : memref<!tpu.dma_semaphore, #tpu.memory_space<semaphore_mem>>)
        %dma_start3A_81 = arith.constant 0 : i32
        %dma_start3A_82 = tpu.memref_slice %arg7[%mul3A_63, %dma_start3A_81] : memref<40x128xi32, #tpu.memory_space<vmem>> -> memref<1x128xi32, #tpu.memory_space<vmem>>
        %dma_start3A_83 = tpu.memref_squeeze %dma_start3A_82 : memref<1x128xi32, #tpu.memory_space<vmem>> -> memref<128xi32, #tpu.memory_space<vmem>>
        %dma_start3A_84 = arith.constant 0 : i32
        %dma_start3A_85 = arith.constant 0 : i32
        %dma_start3A_86 = tpu.memref_slice %arg10[%dma_start3A_84, %dma_start3A_85] : memref<10240x128xf32, #tpu.memory_space<vmem_shared>> -> memref<10240x128xf32, #tpu.memory_space<vmem_shared>>
        tpu.enqueue_indirect_dma source(%arg8 : memref<128x128xf32, #tpu.memory_space<vmem>>) target(%dma_start3A_86 : memref<10240x128xf32, #tpu.memory_space<vmem_shared>>) offsets(%dma_start3A_83 : memref<128xi32, #tpu.memory_space<vmem>>) semaphore(%arg13 : memref<!tpu.dma_semaphore, #tpu.memory_space<semaphore_mem>>) {add = true}
        %dma_wait3A_87 = arith.constant 0 : i32
        %dma_wait3A_88 = arith.constant 0 : i32
        %dma_wait3A_89 = tpu.memref_slice %arg6[%dma_wait3A_87, %dma_wait3A_88] : memref<40x128xi32, #tpu.memory_space<vmem>> -> memref<1x128xi32, #tpu.memory_space<vmem>>
        %dma_wait3A_90 = tpu.memref_squeeze %dma_wait3A_89 : memref<1x128xi32, #tpu.memory_space<vmem>> -> memref<128xi32, #tpu.memory_space<vmem>>
        %dma_wait3A_91 = arith.constant 0 : i32
        %dma_wait3A_92 = arith.constant 0 : i32
        %dma_wait3A_93 = tpu.memref_slice %arg2[%dma_wait3A_91, %dma_wait3A_92] : memref<10000x128xf32, #tpu.memory_space<hbm>> -> memref<10000x128xf32, #tpu.memory_space<hbm>>
        tpu.wait_indirect_dma semaphore(%arg12 : memref<!tpu.dma_semaphore, #tpu.memory_space<semaphore_mem>>) src(%dma_wait3A_93 : memref<10000x128xf32, #tpu.memory_space<hbm>>) dst(%arg9 : memref<128x128xf32, #tpu.memory_space<vmem>>)
        %dma_wait3A_94 = arith.constant 0 : i32
        %dma_wait3A_95 = arith.constant 0 : i32
        %dma_wait3A_96 = tpu.memref_slice %arg7[%dma_wait3A_94, %dma_wait3A_95] : memref<40x128xi32, #tpu.memory_space<vmem>> -> memref<1x128xi32, #tpu.memory_space<vmem>>
        %dma_wait3A_97 = tpu.memref_squeeze %dma_wait3A_96 : memref<1x128xi32, #tpu.memory_space<vmem>> -> memref<128xi32, #tpu.memory_space<vmem>>
        %dma_wait3A_98 = arith.constant 0 : i32
        %dma_wait3A_99 = arith.constant 0 : i32
        %dma_wait3A_100 = tpu.memref_slice %arg10[%dma_wait3A_98, %dma_wait3A_99] : memref<10240x128xf32, #tpu.memory_space<vmem_shared>> -> memref<10240x128xf32, #tpu.memory_space<vmem_shared>>
        tpu.wait_indirect_dma semaphore(%arg13 : memref<!tpu.dma_semaphore, #tpu.memory_space<semaphore_mem>>) src(%arg8 : memref<128x128xf32, #tpu.memory_space<vmem>>) dst(%dma_wait3A_100 : memref<10240x128xf32, #tpu.memory_space<vmem_shared>>)
        %lt3A = arith.constant 19 : i32
        %lt3A_101 = arith.cmpi slt, %scan3A_61, %lt3A : i32
        %convert_element_type3A_102 = arith.extui %lt3A_101 : i1 to i32
        %cond3A_103 = arith.constant 0 : i32
        %cond3A_104 = arith.cmpi ne, %convert_element_type3A_102, %cond3A_103 : i32
        scf.if %cond3A_104 {
          %add3A_113 = arith.constant 2 : i32
          %add3A_114 = arith.addi %mul3A_63, %add3A_113 : i32
          %dma_start3A_115 = arith.constant 0 : i32
          %dma_start3A_116 = tpu.memref_slice %arg6[%add3A_114, %dma_start3A_115] : memref<40x128xi32, #tpu.memory_space<vmem>> -> memref<1x128xi32, #tpu.memory_space<vmem>>
          %dma_start3A_117 = tpu.memref_squeeze %dma_start3A_116 : memref<1x128xi32, #tpu.memory_space<vmem>> -> memref<128xi32, #tpu.memory_space<vmem>>
          %dma_start3A_118 = arith.constant 0 : i32
          %dma_start3A_119 = arith.constant 0 : i32
          %dma_start3A_120 = tpu.memref_slice %arg2[%dma_start3A_118, %dma_start3A_119] : memref<10000x128xf32, #tpu.memory_space<hbm>> -> memref<10000x128xf32, #tpu.memory_space<hbm>>
          tpu.enqueue_indirect_dma source(%dma_start3A_120 : memref<10000x128xf32, #tpu.memory_space<hbm>>) target(%arg8 : memref<128x128xf32, #tpu.memory_space<vmem>>) offsets(%dma_start3A_117 : memref<128xi32, #tpu.memory_space<vmem>>) semaphore(%arg11 : memref<!tpu.dma_semaphore, #tpu.memory_space<semaphore_mem>>)
        } else {
        }
        %add3A_105 = arith.constant 1 : i32
        %add3A_106 = arith.addi %mul3A_63, %add3A_105 : i32
        %dma_start3A_107 = arith.constant 0 : i32
        %dma_start3A_108 = tpu.memref_slice %arg7[%add3A_106, %dma_start3A_107] : memref<40x128xi32, #tpu.memory_space<vmem>> -> memref<1x128xi32, #tpu.memory_space<vmem>>
        %dma_start3A_109 = tpu.memref_squeeze %dma_start3A_108 : memref<1x128xi32, #tpu.memory_space<vmem>> -> memref<128xi32, #tpu.memory_space<vmem>>
        %dma_start3A_110 = arith.constant 0 : i32
        %dma_start3A_111 = arith.constant 0 : i32
        %dma_start3A_112 = tpu.memref_slice %arg10[%dma_start3A_110, %dma_start3A_111] : memref<10240x128xf32, #tpu.memory_space<vmem_shared>> -> memref<10240x128xf32, #tpu.memory_space<vmem_shared>>
        tpu.enqueue_indirect_dma source(%arg9 : memref<128x128xf32, #tpu.memory_space<vmem>>) target(%dma_start3A_112 : memref<10240x128xf32, #tpu.memory_space<vmem_shared>>) offsets(%dma_start3A_109 : memref<128xi32, #tpu.memory_space<vmem>>) semaphore(%arg14 : memref<!tpu.dma_semaphore, #tpu.memory_space<semaphore_mem>>) {add = true}
      }
      %scan3A_54 = arith.constant 20 : i32
      %dma_wait3A = arith.constant 0 : i32
      %dma_wait3A_55 = arith.constant 0 : i32
      %dma_wait3A_56 = tpu.memref_slice %arg7[%dma_wait3A, %dma_wait3A_55] : memref<40x128xi32, #tpu.memory_space<vmem>> -> memref<1x128xi32, #tpu.memory_space<vmem>>
      %dma_wait3A_57 = tpu.memref_squeeze %dma_wait3A_56 : memref<1x128xi32, #tpu.memory_space<vmem>> -> memref<128xi32, #tpu.memory_space<vmem>>
      %dma_wait3A_58 = arith.constant 0 : i32
      %dma_wait3A_59 = arith.constant 0 : i32
      %dma_wait3A_60 = tpu.memref_slice %arg10[%dma_wait3A_58, %dma_wait3A_59] : memref<10240x128xf32, #tpu.memory_space<vmem_shared>> -> memref<10240x128xf32, #tpu.memory_space<vmem_shared>>
      tpu.wait_indirect_dma semaphore(%arg14 : memref<!tpu.dma_semaphore, #tpu.memory_space<semaphore_mem>>) src(%arg9 : memref<128x128xf32, #tpu.memory_space<vmem>>) dst(%dma_wait3A_60 : memref<10240x128xf32, #tpu.memory_space<vmem_shared>>)
    }
    %scan3A_32 = arith.constant 2 : i32
    %barrier3A_33 = arith.constant 0 : index
    tpu.barrier barrier_id(%barrier3A_33)
    %mul3A_34 = arith.constant 640 : i32
    %mul3A_35 = arith.muli %arg1, %mul3A_34 : i32
    %mul3A_36 = arith.constant 640 : i32
    %mul3A_37 = arith.muli %arg1, %mul3A_36 : i32
    "tpu.region"() ({
      %run_scoped3A = tpu.sem_alloc : memref<!tpu.dma_semaphore, #tpu.memory_space<semaphore_mem>>
      %dma_start3A = arith.constant 0 : i32
      %dma_start3A_38 = tpu.memref_slice %arg5[%arg0, %mul3A_37, %dma_start3A] : memref<2x10240x128xf32, #tpu.memory_space<hbm>> -> memref<1x640x128xf32, #tpu.memory_space<hbm>>
      %dma_start3A_39 = tpu.memref_squeeze %dma_start3A_38 : memref<1x640x128xf32, #tpu.memory_space<hbm>> -> memref<640x128xf32, #tpu.memory_space<hbm>>
      %dma_start3A_40 = arith.constant 0 : i32
      %dma_start3A_41 = tpu.memref_slice %arg10[%mul3A_35, %dma_start3A_40] : memref<10240x128xf32, #tpu.memory_space<vmem_shared>> -> memref<640x128xf32, #tpu.memory_space<vmem_shared>>
      tpu.enqueue_dma source(%dma_start3A_41 : memref<640x128xf32, #tpu.memory_space<vmem_shared>>) target(%dma_start3A_39 : memref<640x128xf32, #tpu.memory_space<hbm>>) target_semaphore(%run_scoped3A : memref<!tpu.dma_semaphore, #tpu.memory_space<semaphore_mem>>)
      %dma_wait3A = arith.constant 0 : i32
      %dma_wait3A_42 = tpu.memref_slice %arg5[%arg0, %mul3A_37, %dma_wait3A] : memref<2x10240x128xf32, #tpu.memory_space<hbm>> -> memref<1x640x128xf32, #tpu.memory_space<hbm>>
      %dma_wait3A_43 = tpu.memref_squeeze %dma_wait3A_42 : memref<1x640x128xf32, #tpu.memory_space<hbm>> -> memref<640x128xf32, #tpu.memory_space<hbm>>
      %dma_wait3A_44 = arith.constant 0 : i32
      %dma_wait3A_45 = tpu.memref_slice %arg10[%mul3A_35, %dma_wait3A_44] : memref<10240x128xf32, #tpu.memory_space<vmem_shared>> -> memref<640x128xf32, #tpu.memory_space<vmem_shared>>
      tpu.wait_dma2 semaphore(%run_scoped3A : memref<!tpu.dma_semaphore, #tpu.memory_space<semaphore_mem>>) src(%dma_wait3A_45 : memref<640x128xf32, #tpu.memory_space<vmem_shared>>) dst(%dma_wait3A_43 : memref<640x128xf32, #tpu.memory_space<hbm>>)
      tpu.yield
    }) : () -> ()
    return
  }
}

#map = affine_map<(d0, d1) -> (0, 0)>
#map1 = affine_map<(d0, d1) -> (0, 0, 0)>
module attributes {stable_mosaic.version = 14 : i64} {
  func.func @body(%arg0: i32, %arg1: i32, %arg2: memref<10000x128xf32, #tpu.memory_space<hbm>>, %arg3: memref<32x80x128xi32, #tpu.memory_space<hbm>>, %arg4: memref<32x80x128xi32, #tpu.memory_space<hbm>>, %arg5: memref<2x10240x128xf32, #tpu.memory_space<hbm>>, %arg6: memref<40x128xi32, #tpu.memory_space<vmem>>, %arg7: memref<40x128xi32, #tpu.memory_space<vmem>>, %arg8: memref<128x128xf32, #tpu.memory_space<vmem>>, %arg9: memref<128x128xf32, #tpu.memory_space<vmem>>, %arg10: memref<10240x128xf32, #tpu.memory_space<vmem_shared>>, %arg11: memref<!tpu.dma_semaphore, #tpu.memory_space<semaphore_mem>>, %arg12: memref<!tpu.dma_semaphore, #tpu.memory_space<semaphore_mem>>, %arg13: memref<!tpu.dma_semaphore, #tpu.memory_space<semaphore_mem>>, %arg14: memref<!tpu.dma_semaphore, #tpu.memory_space<semaphore_mem>>) attributes {dimension_semantics = [#tpu.dimension_semantics<core_parallel>, #tpu.dimension_semantics<subcore_parallel>], iteration_bounds = array<i64: 2, 16>, scalar_prefetch = 0 : i64, scratch_operands = 9 : i64, tpu.core_type = #tpu.core_type<sc_vector_subcore>, window_params = [{transform_indices = #map}, {transform_indices = #map1}, {transform_indices = #map1}, {transform_indices = #map1}]} {
    %mul3A = arith.constant 2 : i32
    %mul3A_0 = arith.muli %arg1, %mul3A : i32
    %add3A = arith.addi %mul3A_0, %arg0 : i32
    %broadcast_in_dim3A = arith.constant 0.000000e+00 : f32
    %broadcast_in_dim3A_1 = vector.broadcast %broadcast_in_dim3A : f32 to vector<16xf32>
    %scan3A = arith.constant 0 : i32
    %scan3A_2 = arith.constant 0 : i32
    %scan3A_3 = arith.constant 128 : i32
    %scan3A_4 = arith.addi %scan3A_2, %scan3A_3 : i32
    %scan3A_5 = arith.constant 1 : i32
    scf.for %scan3A_38 = %scan3A_2 to %scan3A_4 step %scan3A_5  : i32 {
      %swap3A = arith.index_cast %scan3A_38 : i32 to index
      %swap3A_39 = arith.constant 0 : index
      %swap3A_40 = tpu.vector_load %arg8[%swap3A, %swap3A_39] {strides = array<i32>} : memref<128x128xf32, #tpu.memory_space<vmem>>, vector<1x16xf32>,
      %swap3A_41 = vector.shape_cast %swap3A_40 : vector<1x16xf32> to vector<16xf32>
      %swap3A_42 = vector.shape_cast %broadcast_in_dim3A_1 : vector<16xf32> to vector<1x16xf32>
      tpu.vector_store %arg8[%swap3A, %swap3A_39], %swap3A_42 {strides = array<i32>} : memref<128x128xf32, #tpu.memory_space<vmem>>, vector<1x16xf32>,
      %swap3A_43 = arith.index_cast %scan3A_38 : i32 to index
      %swap3A_44 = arith.constant 16 : index
      %swap3A_45 = tpu.vector_load %arg8[%swap3A_43, %swap3A_44] {strides = array<i32>} : memref<128x128xf32, #tpu.memory_space<vmem>>, vector<1x16xf32>,
      %swap3A_46 = vector.shape_cast %swap3A_45 : vector<1x16xf32> to vector<16xf32>
      %swap3A_47 = vector.shape_cast %broadcast_in_dim3A_1 : vector<16xf32> to vector<1x16xf32>
      tpu.vector_store %arg8[%swap3A_43, %swap3A_44], %swap3A_47 {strides = array<i32>} : memref<128x128xf32, #tpu.memory_space<vmem>>, vector<1x16xf32>,
      %swap3A_48 = arith.index_cast %scan3A_38 : i32 to index
      %swap3A_49 = arith.constant 32 : index
      %swap3A_50 = tpu.vector_load %arg8[%swap3A_48, %swap3A_49] {strides = array<i32>} : memref<128x128xf32, #tpu.memory_space<vmem>>, vector<1x16xf32>,
      %swap3A_51 = vector.shape_cast %swap3A_50 : vector<1x16xf32> to vector<16xf32>
      %swap3A_52 = vector.shape_cast %broadcast_in_dim3A_1 : vector<16xf32> to vector<1x16xf32>
      tpu.vector_store %arg8[%swap3A_48, %swap3A_49], %swap3A_52 {strides = array<i32>} : memref<128x128xf32, #tpu.memory_space<vmem>>, vector<1x16xf32>,
      %swap3A_53 = arith.index_cast %scan3A_38 : i32 to index
      %swap3A_54 = arith.constant 48 : index
      %swap3A_55 = tpu.vector_load %arg8[%swap3A_53, %swap3A_54] {strides = array<i32>} : memref<128x128xf32, #tpu.memory_space<vmem>>, vector<1x16xf32>,
      %swap3A_56 = vector.shape_cast %swap3A_55 : vector<1x16xf32> to vector<16xf32>
      %swap3A_57 = vector.shape_cast %broadcast_in_dim3A_1 : vector<16xf32> to vector<1x16xf32>
      tpu.vector_store %arg8[%swap3A_53, %swap3A_54], %swap3A_57 {strides = array<i32>} : memref<128x128xf32, #tpu.memory_space<vmem>>, vector<1x16xf32>,
      %swap3A_58 = arith.index_cast %scan3A_38 : i32 to index
      %swap3A_59 = arith.constant 64 : index
      %swap3A_60 = tpu.vector_load %arg8[%swap3A_58, %swap3A_59] {strides = array<i32>} : memref<128x128xf32, #tpu.memory_space<vmem>>, vector<1x16xf32>,
      %swap3A_61 = vector.shape_cast %swap3A_60 : vector<1x16xf32> to vector<16xf32>
      %swap3A_62 = vector.shape_cast %broadcast_in_dim3A_1 : vector<16xf32> to vector<1x16xf32>
      tpu.vector_store %arg8[%swap3A_58, %swap3A_59], %swap3A_62 {strides = array<i32>} : memref<128x128xf32, #tpu.memory_space<vmem>>, vector<1x16xf32>,
      %swap3A_63 = arith.index_cast %scan3A_38 : i32 to index
      %swap3A_64 = arith.constant 80 : index
      %swap3A_65 = tpu.vector_load %arg8[%swap3A_63, %swap3A_64] {strides = array<i32>} : memref<128x128xf32, #tpu.memory_space<vmem>>, vector<1x16xf32>,
      %swap3A_66 = vector.shape_cast %swap3A_65 : vector<1x16xf32> to vector<16xf32>
      %swap3A_67 = vector.shape_cast %broadcast_in_dim3A_1 : vector<16xf32> to vector<1x16xf32>
      tpu.vector_store %arg8[%swap3A_63, %swap3A_64], %swap3A_67 {strides = array<i32>} : memref<128x128xf32, #tpu.memory_space<vmem>>, vector<1x16xf32>,
      %swap3A_68 = arith.index_cast %scan3A_38 : i32 to index
      %swap3A_69 = arith.constant 96 : index
      %swap3A_70 = tpu.vector_load %arg8[%swap3A_68, %swap3A_69] {strides = array<i32>} : memref<128x128xf32, #tpu.memory_space<vmem>>, vector<1x16xf32>,
      %swap3A_71 = vector.shape_cast %swap3A_70 : vector<1x16xf32> to vector<16xf32>
      %swap3A_72 = vector.shape_cast %broadcast_in_dim3A_1 : vector<16xf32> to vector<1x16xf32>
      tpu.vector_store %arg8[%swap3A_68, %swap3A_69], %swap3A_72 {strides = array<i32>} : memref<128x128xf32, #tpu.memory_space<vmem>>, vector<1x16xf32>,
      %swap3A_73 = arith.index_cast %scan3A_38 : i32 to index
      %swap3A_74 = arith.constant 112 : index
      %swap3A_75 = tpu.vector_load %arg8[%swap3A_73, %swap3A_74] {strides = array<i32>} : memref<128x128xf32, #tpu.memory_space<vmem>>, vector<1x16xf32>,
      %swap3A_76 = vector.shape_cast %swap3A_75 : vector<1x16xf32> to vector<16xf32>
      %swap3A_77 = vector.shape_cast %broadcast_in_dim3A_1 : vector<16xf32> to vector<1x16xf32>
      tpu.vector_store %arg8[%swap3A_73, %swap3A_74], %swap3A_77 {strides = array<i32>} : memref<128x128xf32, #tpu.memory_space<vmem>>, vector<1x16xf32>,
    }
    %scan3A_6 = arith.constant 128 : i32
    %mul3A_7 = arith.constant 640 : i32
    %mul3A_8 = arith.muli %arg1, %mul3A_7 : i32
    %add3A_9 = arith.constant 0 : i32
    %add3A_10 = arith.addi %mul3A_8, %add3A_9 : i32
    "tpu.region"() ({
      %run_scoped3A = tpu.sem_alloc : memref<!tpu.dma_semaphore, #tpu.memory_space<semaphore_mem>>
      %dma_start3A = arith.constant 0 : i32
      %dma_start3A_38 = tpu.memref_slice %arg10[%add3A_10, %dma_start3A] : memref<10240x128xf32, #tpu.memory_space<vmem_shared>> -> memref<128x128xf32, #tpu.memory_space<vmem_shared>>
      %dma_start3A_39 = arith.constant 0 : i32
      %dma_start3A_40 = tpu.memref_slice %arg10[%add3A_10, %dma_start3A_39] : memref<10240x128xf32, #tpu.memory_space<vmem_shared>> -> memref<128x128xf32, #tpu.memory_space<vmem_shared>>
      tpu.enqueue_dma source(%arg8 : memref<128x128xf32, #tpu.memory_space<vmem>>) target(%dma_start3A_40 : memref<128x128xf32, #tpu.memory_space<vmem_shared>>) target_semaphore(%run_scoped3A : memref<!tpu.dma_semaphore, #tpu.memory_space<semaphore_mem>>)
      %dma_wait3A = arith.constant 0 : i32
      %dma_wait3A_41 = tpu.memref_slice %arg10[%add3A_10, %dma_wait3A] : memref<10240x128xf32, #tpu.memory_space<vmem_shared>> -> memref<128x128xf32, #tpu.memory_space<vmem_shared>>
      %dma_wait3A_42 = arith.constant 0 : i32
      %dma_wait3A_43 = tpu.memref_slice %arg10[%add3A_10, %dma_wait3A_42] : memref<10240x128xf32, #tpu.memory_space<vmem_shared>> -> memref<128x128xf32, #tpu.memory_space<vmem_shared>>
      tpu.wait_dma2 semaphore(%run_scoped3A : memref<!tpu.dma_semaphore, #tpu.memory_space<semaphore_mem>>) src(%arg8 : memref<128x128xf32, #tpu.memory_space<vmem>>) dst(%dma_wait3A_43 : memref<128x128xf32, #tpu.memory_space<vmem_shared>>)
      tpu.yield
    }) : () -> ()
    %mul3A_11 = arith.constant 640 : i32
    %mul3A_12 = arith.muli %arg1, %mul3A_11 : i32
    %add3A_13 = arith.constant 128 : i32
    %add3A_14 = arith.addi %mul3A_12, %add3A_13 : i32
    "tpu.region"() ({
      %run_scoped3A = tpu.sem_alloc : memref<!tpu.dma_semaphore, #tpu.memory_space<semaphore_mem>>
      %dma_start3A = arith.constant 0 : i32
      %dma_start3A_38 = tpu.memref_slice %arg10[%add3A_14, %dma_start3A] : memref<10240x128xf32, #tpu.memory_space<vmem_shared>> -> memref<128x128xf32, #tpu.memory_space<vmem_shared>>
      %dma_start3A_39 = arith.constant 0 : i32
      %dma_start3A_40 = tpu.memref_slice %arg10[%add3A_14, %dma_start3A_39] : memref<10240x128xf32, #tpu.memory_space<vmem_shared>> -> memref<128x128xf32, #tpu.memory_space<vmem_shared>>
      tpu.enqueue_dma source(%arg8 : memref<128x128xf32, #tpu.memory_space<vmem>>) target(%dma_start3A_40 : memref<128x128xf32, #tpu.memory_space<vmem_shared>>) target_semaphore(%run_scoped3A : memref<!tpu.dma_semaphore, #tpu.memory_space<semaphore_mem>>)
      %dma_wait3A = arith.constant 0 : i32
      %dma_wait3A_41 = tpu.memref_slice %arg10[%add3A_14, %dma_wait3A] : memref<10240x128xf32, #tpu.memory_space<vmem_shared>> -> memref<128x128xf32, #tpu.memory_space<vmem_shared>>
      %dma_wait3A_42 = arith.constant 0 : i32
      %dma_wait3A_43 = tpu.memref_slice %arg10[%add3A_14, %dma_wait3A_42] : memref<10240x128xf32, #tpu.memory_space<vmem_shared>> -> memref<128x128xf32, #tpu.memory_space<vmem_shared>>
      tpu.wait_dma2 semaphore(%run_scoped3A : memref<!tpu.dma_semaphore, #tpu.memory_space<semaphore_mem>>) src(%arg8 : memref<128x128xf32, #tpu.memory_space<vmem>>) dst(%dma_wait3A_43 : memref<128x128xf32, #tpu.memory_space<vmem_shared>>)
      tpu.yield
    }) : () -> ()
    %mul3A_15 = arith.constant 640 : i32
    %mul3A_16 = arith.muli %arg1, %mul3A_15 : i32
    %add3A_17 = arith.constant 256 : i32
    %add3A_18 = arith.addi %mul3A_16, %add3A_17 : i32
    "tpu.region"() ({
      %run_scoped3A = tpu.sem_alloc : memref<!tpu.dma_semaphore, #tpu.memory_space<semaphore_mem>>
      %dma_start3A = arith.constant 0 : i32
      %dma_start3A_38 = tpu.memref_slice %arg10[%add3A_18, %dma_start3A] : memref<10240x128xf32, #tpu.memory_space<vmem_shared>> -> memref<128x128xf32, #tpu.memory_space<vmem_shared>>
      %dma_start3A_39 = arith.constant 0 : i32
      %dma_start3A_40 = tpu.memref_slice %arg10[%add3A_18, %dma_start3A_39] : memref<10240x128xf32, #tpu.memory_space<vmem_shared>> -> memref<128x128xf32, #tpu.memory_space<vmem_shared>>
      tpu.enqueue_dma source(%arg8 : memref<128x128xf32, #tpu.memory_space<vmem>>) target(%dma_start3A_40 : memref<128x128xf32, #tpu.memory_space<vmem_shared>>) target_semaphore(%run_scoped3A : memref<!tpu.dma_semaphore, #tpu.memory_space<semaphore_mem>>)
      %dma_wait3A = arith.constant 0 : i32
      %dma_wait3A_41 = tpu.memref_slice %arg10[%add3A_18, %dma_wait3A] : memref<10240x128xf32, #tpu.memory_space<vmem_shared>> -> memref<128x128xf32, #tpu.memory_space<vmem_shared>>
      %dma_wait3A_42 = arith.constant 0 : i32
      %dma_wait3A_43 = tpu.memref_slice %arg10[%add3A_18, %dma_wait3A_42] : memref<10240x128xf32, #tpu.memory_space<vmem_shared>> -> memref<128x128xf32, #tpu.memory_space<vmem_shared>>
      tpu.wait_dma2 semaphore(%run_scoped3A : memref<!tpu.dma_semaphore, #tpu.memory_space<semaphore_mem>>) src(%arg8 : memref<128x128xf32, #tpu.memory_space<vmem>>) dst(%dma_wait3A_43 : memref<128x128xf32, #tpu.memory_space<vmem_shared>>)
      tpu.yield
    }) : () -> ()
    %mul3A_19 = arith.constant 640 : i32
    %mul3A_20 = arith.muli %arg1, %mul3A_19 : i32
    %add3A_21 = arith.constant 384 : i32
    %add3A_22 = arith.addi %mul3A_20, %add3A_21 : i32
    "tpu.region"() ({
      %run_scoped3A = tpu.sem_alloc : memref<!tpu.dma_semaphore, #tpu.memory_space<semaphore_mem>>
      %dma_start3A = arith.constant 0 : i32
      %dma_start3A_38 = tpu.memref_slice %arg10[%add3A_22, %dma_start3A] : memref<10240x128xf32, #tpu.memory_space<vmem_shared>> -> memref<128x128xf32, #tpu.memory_space<vmem_shared>>
      %dma_start3A_39 = arith.constant 0 : i32
      %dma_start3A_40 = tpu.memref_slice %arg10[%add3A_22, %dma_start3A_39] : memref<10240x128xf32, #tpu.memory_space<vmem_shared>> -> memref<128x128xf32, #tpu.memory_space<vmem_shared>>
      tpu.enqueue_dma source(%arg8 : memref<128x128xf32, #tpu.memory_space<vmem>>) target(%dma_start3A_40 : memref<128x128xf32, #tpu.memory_space<vmem_shared>>) target_semaphore(%run_scoped3A : memref<!tpu.dma_semaphore, #tpu.memory_space<semaphore_mem>>)
      %dma_wait3A = arith.constant 0 : i32
      %dma_wait3A_41 = tpu.memref_slice %arg10[%add3A_22, %dma_wait3A] : memref<10240x128xf32, #tpu.memory_space<vmem_shared>> -> memref<128x128xf32, #tpu.memory_space<vmem_shared>>
      %dma_wait3A_42 = arith.constant 0 : i32
      %dma_wait3A_43 = tpu.memref_slice %arg10[%add3A_22, %dma_wait3A_42] : memref<10240x128xf32, #tpu.memory_space<vmem_shared>> -> memref<128x128xf32, #tpu.memory_space<vmem_shared>>
      tpu.wait_dma2 semaphore(%run_scoped3A : memref<!tpu.dma_semaphore, #tpu.memory_space<semaphore_mem>>) src(%arg8 : memref<128x128xf32, #tpu.memory_space<vmem>>) dst(%dma_wait3A_43 : memref<128x128xf32, #tpu.memory_space<vmem_shared>>)
      tpu.yield
    }) : () -> ()
    %mul3A_23 = arith.constant 640 : i32
    %mul3A_24 = arith.muli %arg1, %mul3A_23 : i32
    %add3A_25 = arith.constant 512 : i32
    %add3A_26 = arith.addi %mul3A_24, %add3A_25 : i32
    "tpu.region"() ({
      %run_scoped3A = tpu.sem_alloc : memref<!tpu.dma_semaphore, #tpu.memory_space<semaphore_mem>>
      %dma_start3A = arith.constant 0 : i32
      %dma_start3A_38 = tpu.memref_slice %arg10[%add3A_26, %dma_start3A] : memref<10240x128xf32, #tpu.memory_space<vmem_shared>> -> memref<128x128xf32, #tpu.memory_space<vmem_shared>>
      %dma_start3A_39 = arith.constant 0 : i32
      %dma_start3A_40 = tpu.memref_slice %arg10[%add3A_26, %dma_start3A_39] : memref<10240x128xf32, #tpu.memory_space<vmem_shared>> -> memref<128x128xf32, #tpu.memory_space<vmem_shared>>
      tpu.enqueue_dma source(%arg8 : memref<128x128xf32, #tpu.memory_space<vmem>>) target(%dma_start3A_40 : memref<128x128xf32, #tpu.memory_space<vmem_shared>>) target_semaphore(%run_scoped3A : memref<!tpu.dma_semaphore, #tpu.memory_space<semaphore_mem>>)
      %dma_wait3A = arith.constant 0 : i32
      %dma_wait3A_41 = tpu.memref_slice %arg10[%add3A_26, %dma_wait3A] : memref<10240x128xf32, #tpu.memory_space<vmem_shared>> -> memref<128x128xf32, #tpu.memory_space<vmem_shared>>
      %dma_wait3A_42 = arith.constant 0 : i32
      %dma_wait3A_43 = tpu.memref_slice %arg10[%add3A_26, %dma_wait3A_42] : memref<10240x128xf32, #tpu.memory_space<vmem_shared>> -> memref<128x128xf32, #tpu.memory_space<vmem_shared>>
      tpu.wait_dma2 semaphore(%run_scoped3A : memref<!tpu.dma_semaphore, #tpu.memory_space<semaphore_mem>>) src(%arg8 : memref<128x128xf32, #tpu.memory_space<vmem>>) dst(%dma_wait3A_43 : memref<128x128xf32, #tpu.memory_space<vmem_shared>>)
      tpu.yield
    }) : () -> ()
    %barrier3A = arith.constant 0 : index
    tpu.barrier barrier_id(%barrier3A)
    %scan3A_27 = arith.constant 0 : i32
    %scan3A_28 = arith.constant 0 : i32
    %scan3A_29 = arith.constant 2 : i32
    %scan3A_30 = arith.addi %scan3A_28, %scan3A_29 : i32
    %scan3A_31 = arith.constant 1 : i32
    scf.for %scan3A_38 = %scan3A_28 to %scan3A_30 step %scan3A_31  : i32 {
      %mul3A_39 = arith.constant 40 : i32
      %mul3A_40 = arith.muli %scan3A_38, %mul3A_39 : i32
      "tpu.region"() ({
        %run_scoped3A = tpu.sem_alloc : memref<!tpu.dma_semaphore, #tpu.memory_space<semaphore_mem>>
        %dma_start3A_61 = arith.constant 0 : i32
        %dma_start3A_62 = tpu.memref_slice %arg3[%add3A, %mul3A_40, %dma_start3A_61] : memref<32x80x128xi32, #tpu.memory_space<hbm>> -> memref<1x40x128xi32, #tpu.memory_space<hbm>>
        %dma_start3A_63 = tpu.memref_squeeze %dma_start3A_62 : memref<1x40x128xi32, #tpu.memory_space<hbm>> -> memref<40x128xi32, #tpu.memory_space<hbm>>
        %dma_start3A_64 = arith.constant 0 : i32
        %dma_start3A_65 = tpu.memref_slice %arg3[%add3A, %mul3A_40, %dma_start3A_64] : memref<32x80x128xi32, #tpu.memory_space<hbm>> -> memref<1x40x128xi32, #tpu.memory_space<hbm>>
        %dma_start3A_66 = tpu.memref_squeeze %dma_start3A_65 : memref<1x40x128xi32, #tpu.memory_space<hbm>> -> memref<40x128xi32, #tpu.memory_space<hbm>>
        tpu.enqueue_dma source(%dma_start3A_66 : memref<40x128xi32, #tpu.memory_space<hbm>>) target(%arg6 : memref<40x128xi32, #tpu.memory_space<vmem>>) target_semaphore(%run_scoped3A : memref<!tpu.dma_semaphore, #tpu.memory_space<semaphore_mem>>)
        %dma_wait3A_67 = arith.constant 0 : i32
        %dma_wait3A_68 = tpu.memref_slice %arg3[%add3A, %mul3A_40, %dma_wait3A_67] : memref<32x80x128xi32, #tpu.memory_space<hbm>> -> memref<1x40x128xi32, #tpu.memory_space<hbm>>
        %dma_wait3A_69 = tpu.memref_squeeze %dma_wait3A_68 : memref<1x40x128xi32, #tpu.memory_space<hbm>> -> memref<40x128xi32, #tpu.memory_space<hbm>>
        %dma_wait3A_70 = arith.constant 0 : i32
        %dma_wait3A_71 = tpu.memref_slice %arg3[%add3A, %mul3A_40, %dma_wait3A_70] : memref<32x80x128xi32, #tpu.memory_space<hbm>> -> memref<1x40x128xi32, #tpu.memory_space<hbm>>
        %dma_wait3A_72 = tpu.memref_squeeze %dma_wait3A_71 : memref<1x40x128xi32, #tpu.memory_space<hbm>> -> memref<40x128xi32, #tpu.memory_space<hbm>>
        tpu.wait_dma2 semaphore(%run_scoped3A : memref<!tpu.dma_semaphore, #tpu.memory_space<semaphore_mem>>) src(%dma_wait3A_72 : memref<40x128xi32, #tpu.memory_space<hbm>>) dst(%arg6 : memref<40x128xi32, #tpu.memory_space<vmem>>)
        tpu.yield
      }) : () -> ()
      %mul3A_41 = arith.constant 40 : i32
      %mul3A_42 = arith.muli %scan3A_38, %mul3A_41 : i32
      "tpu.region"() ({
        %run_scoped3A = tpu.sem_alloc : memref<!tpu.dma_semaphore, #tpu.memory_space<semaphore_mem>>
        %dma_start3A_61 = arith.constant 0 : i32
        %dma_start3A_62 = tpu.memref_slice %arg4[%add3A, %mul3A_42, %dma_start3A_61] : memref<32x80x128xi32, #tpu.memory_space<hbm>> -> memref<1x40x128xi32, #tpu.memory_space<hbm>>
        %dma_start3A_63 = tpu.memref_squeeze %dma_start3A_62 : memref<1x40x128xi32, #tpu.memory_space<hbm>> -> memref<40x128xi32, #tpu.memory_space<hbm>>
        %dma_start3A_64 = arith.constant 0 : i32
        %dma_start3A_65 = tpu.memref_slice %arg4[%add3A, %mul3A_42, %dma_start3A_64] : memref<32x80x128xi32, #tpu.memory_space<hbm>> -> memref<1x40x128xi32, #tpu.memory_space<hbm>>
        %dma_start3A_66 = tpu.memref_squeeze %dma_start3A_65 : memref<1x40x128xi32, #tpu.memory_space<hbm>> -> memref<40x128xi32, #tpu.memory_space<hbm>>
        tpu.enqueue_dma source(%dma_start3A_66 : memref<40x128xi32, #tpu.memory_space<hbm>>) target(%arg7 : memref<40x128xi32, #tpu.memory_space<vmem>>) target_semaphore(%run_scoped3A : memref<!tpu.dma_semaphore, #tpu.memory_space<semaphore_mem>>)
        %dma_wait3A_67 = arith.constant 0 : i32
        %dma_wait3A_68 = tpu.memref_slice %arg4[%add3A, %mul3A_42, %dma_wait3A_67] : memref<32x80x128xi32, #tpu.memory_space<hbm>> -> memref<1x40x128xi32, #tpu.memory_space<hbm>>
        %dma_wait3A_69 = tpu.memref_squeeze %dma_wait3A_68 : memref<1x40x128xi32, #tpu.memory_space<hbm>> -> memref<40x128xi32, #tpu.memory_space<hbm>>
        %dma_wait3A_70 = arith.constant 0 : i32
        %dma_wait3A_71 = tpu.memref_slice %arg4[%add3A, %mul3A_42, %dma_wait3A_70] : memref<32x80x128xi32, #tpu.memory_space<hbm>> -> memref<1x40x128xi32, #tpu.memory_space<hbm>>
        %dma_wait3A_72 = tpu.memref_squeeze %dma_wait3A_71 : memref<1x40x128xi32, #tpu.memory_space<hbm>> -> memref<40x128xi32, #tpu.memory_space<hbm>>
        tpu.wait_dma2 semaphore(%run_scoped3A : memref<!tpu.dma_semaphore, #tpu.memory_space<semaphore_mem>>) src(%dma_wait3A_72 : memref<40x128xi32, #tpu.memory_space<hbm>>) dst(%arg7 : memref<40x128xi32, #tpu.memory_space<vmem>>)
        tpu.yield
      }) : () -> ()
      %dma_start3A = arith.constant 0 : i32
      %dma_start3A_43 = arith.constant 0 : i32
      %dma_start3A_44 = tpu.memref_slice %arg6[%dma_start3A, %dma_start3A_43] : memref<40x128xi32, #tpu.memory_space<vmem>> -> memref<1x128xi32, #tpu.memory_space<vmem>>
      %dma_start3A_45 = tpu.memref_squeeze %dma_start3A_44 : memref<1x128xi32, #tpu.memory_space<vmem>> -> memref<128xi32, #tpu.memory_space<vmem>>
      %dma_start3A_46 = arith.constant 0 : i32
      %dma_start3A_47 = arith.constant 0 : i32
      %dma_start3A_48 = tpu.memref_slice %arg2[%dma_start3A_46, %dma_start3A_47] : memref<10000x128xf32, #tpu.memory_space<hbm>> -> memref<10000x128xf32, #tpu.memory_space<hbm>>
      tpu.enqueue_indirect_dma source(%dma_start3A_48 : memref<10000x128xf32, #tpu.memory_space<hbm>>) target(%arg8 : memref<128x128xf32, #tpu.memory_space<vmem>>) offsets(%dma_start3A_45 : memref<128xi32, #tpu.memory_space<vmem>>) semaphore(%arg11 : memref<!tpu.dma_semaphore, #tpu.memory_space<semaphore_mem>>)
      %scan3A_49 = arith.constant 0 : i32
      %scan3A_50 = arith.constant 0 : i32
      %scan3A_51 = arith.constant 20 : i32
      %scan3A_52 = arith.addi %scan3A_50, %scan3A_51 : i32
      %scan3A_53 = arith.constant 1 : i32
      scf.for %scan3A_61 = %scan3A_50 to %scan3A_52 step %scan3A_53  : i32 {
        %mul3A_62 = arith.constant 2 : i32
        %mul3A_63 = arith.muli %mul3A_62, %scan3A_61 : i32
        %dma_wait3A_64 = arith.constant 0 : i32
        %dma_wait3A_65 = arith.constant 0 : i32
        %dma_wait3A_66 = tpu.memref_slice %arg6[%dma_wait3A_64, %dma_wait3A_65] : memref<40x128xi32, #tpu.memory_space<vmem>> -> memref<1x128xi32, #tpu.memory_space<vmem>>
        %dma_wait3A_67 = tpu.memref_squeeze %dma_wait3A_66 : memref<1x128xi32, #tpu.memory_space<vmem>> -> memref<128xi32, #tpu.memory_space<vmem>>
        %dma_wait3A_68 = arith.constant 0 : i32
        %dma_wait3A_69 = arith.constant 0 : i32
        %dma_wait3A_70 = tpu.memref_slice %arg2[%dma_wait3A_68, %dma_wait3A_69] : memref<10000x128xf32, #tpu.memory_space<hbm>> -> memref<10000x128xf32, #tpu.memory_space<hbm>>
        tpu.wait_indirect_dma semaphore(%arg11 : memref<!tpu.dma_semaphore, #tpu.memory_space<semaphore_mem>>) src(%dma_wait3A_70 : memref<10000x128xf32, #tpu.memory_space<hbm>>) dst(%arg8 : memref<128x128xf32, #tpu.memory_space<vmem>>)
        %gt3A = arith.constant 0 : i32
        %gt3A_71 = arith.cmpi sgt, %scan3A_61, %gt3A : i32
        %convert_element_type3A = arith.extui %gt3A_71 : i1 to i32
        %cond3A = arith.constant 0 : i32
        %cond3A_72 = arith.cmpi ne, %convert_element_type3A, %cond3A : i32
        scf.if %cond3A_72 {
          %dma_wait3A_113 = arith.constant 0 : i32
          %dma_wait3A_114 = arith.constant 0 : i32
          %dma_wait3A_115 = tpu.memref_slice %arg7[%dma_wait3A_113, %dma_wait3A_114] : memref<40x128xi32, #tpu.memory_space<vmem>> -> memref<1x128xi32, #tpu.memory_space<vmem>>
          %dma_wait3A_116 = tpu.memref_squeeze %dma_wait3A_115 : memref<1x128xi32, #tpu.memory_space<vmem>> -> memref<128xi32, #tpu.memory_space<vmem>>
          %dma_wait3A_117 = arith.constant 0 : i32
          %dma_wait3A_118 = arith.constant 0 : i32
          %dma_wait3A_119 = tpu.memref_slice %arg10[%dma_wait3A_117, %dma_wait3A_118] : memref<10240x128xf32, #tpu.memory_space<vmem_shared>> -> memref<10240x128xf32, #tpu.memory_space<vmem_shared>>
          tpu.wait_indirect_dma semaphore(%arg14 : memref<!tpu.dma_semaphore, #tpu.memory_space<semaphore_mem>>) src(%arg9 : memref<128x128xf32, #tpu.memory_space<vmem>>) dst(%dma_wait3A_119 : memref<10240x128xf32, #tpu.memory_space<vmem_shared>>)
        } else {
        }
        %add3A_73 = arith.constant 1 : i32
        %add3A_74 = arith.addi %mul3A_63, %add3A_73 : i32
        %dma_start3A_75 = arith.constant 0 : i32
        %dma_start3A_76 = tpu.memref_slice %arg6[%add3A_74, %dma_start3A_75] : memref<40x128xi32, #tpu.memory_space<vmem>> -> memref<1x128xi32, #tpu.memory_space<vmem>>
        %dma_start3A_77 = tpu.memref_squeeze %dma_start3A_76 : memref<1x128xi32, #tpu.memory_space<vmem>> -> memref<128xi32, #tpu.memory_space<vmem>>
        %dma_start3A_78 = arith.constant 0 : i32
        %dma_start3A_79 = arith.constant 0 : i32
        %dma_start3A_80 = tpu.memref_slice %arg2[%dma_start3A_78, %dma_start3A_79] : memref<10000x128xf32, #tpu.memory_space<hbm>> -> memref<10000x128xf32, #tpu.memory_space<hbm>>
        tpu.enqueue_indirect_dma source(%dma_start3A_80 : memref<10000x128xf32, #tpu.memory_space<hbm>>) target(%arg9 : memref<128x128xf32, #tpu.memory_space<vmem>>) offsets(%dma_start3A_77 : memref<128xi32, #tpu.memory_space<vmem>>) semaphore(%arg12 : memref<!tpu.dma_semaphore, #tpu.memory_space<semaphore_mem>>)
        %dma_start3A_81 = arith.constant 0 : i32
        %dma_start3A_82 = tpu.memref_slice %arg7[%mul3A_63, %dma_start3A_81] : memref<40x128xi32, #tpu.memory_space<vmem>> -> memref<1x128xi32, #tpu.memory_space<vmem>>
        %dma_start3A_83 = tpu.memref_squeeze %dma_start3A_82 : memref<1x128xi32, #tpu.memory_space<vmem>> -> memref<128xi32, #tpu.memory_space<vmem>>
        %dma_start3A_84 = arith.constant 0 : i32
        %dma_start3A_85 = arith.constant 0 : i32
        %dma_start3A_86 = tpu.memref_slice %arg10[%dma_start3A_84, %dma_start3A_85] : memref<10240x128xf32, #tpu.memory_space<vmem_shared>> -> memref<10240x128xf32, #tpu.memory_space<vmem_shared>>
        tpu.enqueue_indirect_dma source(%arg8 : memref<128x128xf32, #tpu.memory_space<vmem>>) target(%dma_start3A_86 : memref<10240x128xf32, #tpu.memory_space<vmem_shared>>) offsets(%dma_start3A_83 : memref<128xi32, #tpu.memory_space<vmem>>) semaphore(%arg13 : memref<!tpu.dma_semaphore, #tpu.memory_space<semaphore_mem>>) {add = true}
        %dma_wait3A_87 = arith.constant 0 : i32
        %dma_wait3A_88 = arith.constant 0 : i32
        %dma_wait3A_89 = tpu.memref_slice %arg6[%dma_wait3A_87, %dma_wait3A_88] : memref<40x128xi32, #tpu.memory_space<vmem>> -> memref<1x128xi32, #tpu.memory_space<vmem>>
        %dma_wait3A_90 = tpu.memref_squeeze %dma_wait3A_89 : memref<1x128xi32, #tpu.memory_space<vmem>> -> memref<128xi32, #tpu.memory_space<vmem>>
        %dma_wait3A_91 = arith.constant 0 : i32
        %dma_wait3A_92 = arith.constant 0 : i32
        %dma_wait3A_93 = tpu.memref_slice %arg2[%dma_wait3A_91, %dma_wait3A_92] : memref<10000x128xf32, #tpu.memory_space<hbm>> -> memref<10000x128xf32, #tpu.memory_space<hbm>>
        tpu.wait_indirect_dma semaphore(%arg12 : memref<!tpu.dma_semaphore, #tpu.memory_space<semaphore_mem>>) src(%dma_wait3A_93 : memref<10000x128xf32, #tpu.memory_space<hbm>>) dst(%arg9 : memref<128x128xf32, #tpu.memory_space<vmem>>)
        %dma_wait3A_94 = arith.constant 0 : i32
        %dma_wait3A_95 = arith.constant 0 : i32
        %dma_wait3A_96 = tpu.memref_slice %arg7[%dma_wait3A_94, %dma_wait3A_95] : memref<40x128xi32, #tpu.memory_space<vmem>> -> memref<1x128xi32, #tpu.memory_space<vmem>>
        %dma_wait3A_97 = tpu.memref_squeeze %dma_wait3A_96 : memref<1x128xi32, #tpu.memory_space<vmem>> -> memref<128xi32, #tpu.memory_space<vmem>>
        %dma_wait3A_98 = arith.constant 0 : i32
        %dma_wait3A_99 = arith.constant 0 : i32
        %dma_wait3A_100 = tpu.memref_slice %arg10[%dma_wait3A_98, %dma_wait3A_99] : memref<10240x128xf32, #tpu.memory_space<vmem_shared>> -> memref<10240x128xf32, #tpu.memory_space<vmem_shared>>
        tpu.wait_indirect_dma semaphore(%arg13 : memref<!tpu.dma_semaphore, #tpu.memory_space<semaphore_mem>>) src(%arg8 : memref<128x128xf32, #tpu.memory_space<vmem>>) dst(%dma_wait3A_100 : memref<10240x128xf32, #tpu.memory_space<vmem_shared>>)
        %lt3A = arith.constant 19 : i32
        %lt3A_101 = arith.cmpi slt, %scan3A_61, %lt3A : i32
        %convert_element_type3A_102 = arith.extui %lt3A_101 : i1 to i32
        %cond3A_103 = arith.constant 0 : i32
        %cond3A_104 = arith.cmpi ne, %convert_element_type3A_102, %cond3A_103 : i32
        scf.if %cond3A_104 {
          %add3A_113 = arith.constant 2 : i32
          %add3A_114 = arith.addi %mul3A_63, %add3A_113 : i32
          %dma_start3A_115 = arith.constant 0 : i32
          %dma_start3A_116 = tpu.memref_slice %arg6[%add3A_114, %dma_start3A_115] : memref<40x128xi32, #tpu.memory_space<vmem>> -> memref<1x128xi32, #tpu.memory_space<vmem>>
          %dma_start3A_117 = tpu.memref_squeeze %dma_start3A_116 : memref<1x128xi32, #tpu.memory_space<vmem>> -> memref<128xi32, #tpu.memory_space<vmem>>
          %dma_start3A_118 = arith.constant 0 : i32
          %dma_start3A_119 = arith.constant 0 : i32
          %dma_start3A_120 = tpu.memref_slice %arg2[%dma_start3A_118, %dma_start3A_119] : memref<10000x128xf32, #tpu.memory_space<hbm>> -> memref<10000x128xf32, #tpu.memory_space<hbm>>
          tpu.enqueue_indirect_dma source(%dma_start3A_120 : memref<10000x128xf32, #tpu.memory_space<hbm>>) target(%arg8 : memref<128x128xf32, #tpu.memory_space<vmem>>) offsets(%dma_start3A_117 : memref<128xi32, #tpu.memory_space<vmem>>) semaphore(%arg11 : memref<!tpu.dma_semaphore, #tpu.memory_space<semaphore_mem>>)
        } else {
        }
        %add3A_105 = arith.constant 1 : i32
        %add3A_106 = arith.addi %mul3A_63, %add3A_105 : i32
        %dma_start3A_107 = arith.constant 0 : i32
        %dma_start3A_108 = tpu.memref_slice %arg7[%add3A_106, %dma_start3A_107] : memref<40x128xi32, #tpu.memory_space<vmem>> -> memref<1x128xi32, #tpu.memory_space<vmem>>
        %dma_start3A_109 = tpu.memref_squeeze %dma_start3A_108 : memref<1x128xi32, #tpu.memory_space<vmem>> -> memref<128xi32, #tpu.memory_space<vmem>>
        %dma_start3A_110 = arith.constant 0 : i32
        %dma_start3A_111 = arith.constant 0 : i32
        %dma_start3A_112 = tpu.memref_slice %arg10[%dma_start3A_110, %dma_start3A_111] : memref<10240x128xf32, #tpu.memory_space<vmem_shared>> -> memref<10240x128xf32, #tpu.memory_space<vmem_shared>>
        tpu.enqueue_indirect_dma source(%arg9 : memref<128x128xf32, #tpu.memory_space<vmem>>) target(%dma_start3A_112 : memref<10240x128xf32, #tpu.memory_space<vmem_shared>>) offsets(%dma_start3A_109 : memref<128xi32, #tpu.memory_space<vmem>>) semaphore(%arg14 : memref<!tpu.dma_semaphore, #tpu.memory_space<semaphore_mem>>) {add = true}
      }
      %scan3A_54 = arith.constant 20 : i32
      %dma_wait3A = arith.constant 0 : i32
      %dma_wait3A_55 = arith.constant 0 : i32
      %dma_wait3A_56 = tpu.memref_slice %arg7[%dma_wait3A, %dma_wait3A_55] : memref<40x128xi32, #tpu.memory_space<vmem>> -> memref<1x128xi32, #tpu.memory_space<vmem>>
      %dma_wait3A_57 = tpu.memref_squeeze %dma_wait3A_56 : memref<1x128xi32, #tpu.memory_space<vmem>> -> memref<128xi32, #tpu.memory_space<vmem>>
      %dma_wait3A_58 = arith.constant 0 : i32
      %dma_wait3A_59 = arith.constant 0 : i32
      %dma_wait3A_60 = tpu.memref_slice %arg10[%dma_wait3A_58, %dma_wait3A_59] : memref<10240x128xf32, #tpu.memory_space<vmem_shared>> -> memref<10240x128xf32, #tpu.memory_space<vmem_shared>>
      tpu.wait_indirect_dma semaphore(%arg14 : memref<!tpu.dma_semaphore, #tpu.memory_space<semaphore_mem>>) src(%arg9 : memref<128x128xf32, #tpu.memory_space<vmem>>) dst(%dma_wait3A_60 : memref<10240x128xf32, #tpu.memory_space<vmem_shared>>)
    }
    %scan3A_32 = arith.constant 2 : i32
    %barrier3A_33 = arith.constant 0 : index
    tpu.barrier barrier_id(%barrier3A_33)
    %mul3A_34 = arith.constant 640 : i32
    %mul3A_35 = arith.muli %arg1, %mul3A_34 : i32
    %mul3A_36 = arith.constant 640 : i32
    %mul3A_37 = arith.muli %arg1, %mul3A_36 : i32
    "tpu.region"() ({
      %run_scoped3A = tpu.sem_alloc : memref<!tpu.dma_semaphore, #tpu.memory_space<semaphore_mem>>
      %dma_start3A = arith.constant 0 : i32
      %dma_start3A_38 = tpu.memref_slice %arg5[%arg0, %mul3A_37, %dma_start3A] : memref<2x10240x128xf32, #tpu.memory_space<hbm>> -> memref<1x640x128xf32, #tpu.memory_space<hbm>>
      %dma_start3A_39 = tpu.memref_squeeze %dma_start3A_38 : memref<1x640x128xf32, #tpu.memory_space<hbm>> -> memref<640x128xf32, #tpu.memory_space<hbm>>
      %dma_start3A_40 = arith.constant 0 : i32
      %dma_start3A_41 = tpu.memref_slice %arg10[%mul3A_35, %dma_start3A_40] : memref<10240x128xf32, #tpu.memory_space<vmem_shared>> -> memref<640x128xf32, #tpu.memory_space<vmem_shared>>
      tpu.enqueue_dma source(%dma_start3A_41 : memref<640x128xf32, #tpu.memory_space<vmem_shared>>) target(%dma_start3A_39 : memref<640x128xf32, #tpu.memory_space<hbm>>) target_semaphore(%run_scoped3A : memref<!tpu.dma_semaphore, #tpu.memory_space<semaphore_mem>>)
      %dma_wait3A = arith.constant 0 : i32
      %dma_wait3A_42 = tpu.memref_slice %arg5[%arg0, %mul3A_37, %dma_wait3A] : memref<2x10240x128xf32, #tpu.memory_space<hbm>> -> memref<1x640x128xf32, #tpu.memory_space<hbm>>
      %dma_wait3A_43 = tpu.memref_squeeze %dma_wait3A_42 : memref<1x640x128xf32, #tpu.memory_space<hbm>> -> memref<640x128xf32, #tpu.memory_space<hbm>>
      %dma_wait3A_44 = arith.constant 0 : i32
      %dma_wait3A_45 = tpu.memref_slice %arg10[%mul3A_35, %dma_wait3A_44] : memref<10240x128xf32, #tpu.memory_space<vmem_shared>> -> memref<640x128xf32, #tpu.memory_space<vmem_shared>>
      tpu.wait_dma2 semaphore(%run_scoped3A : memref<!tpu.dma_semaphore, #tpu.memory_space<semaphore_mem>>) src(%dma_wait3A_45 : memref<640x128xf32, #tpu.memory_space<vmem_shared>>) dst(%dma_wait3A_43 : memref<640x128xf32, #tpu.memory_space<hbm>>)
      tpu.yield
    }) : () -> ()
    return
  }
}

module attributes {stable_mosaic.version = 14 : i64} {
  func.func @_mlp1_body(%arg0: i32, %arg1: memref<1000x128xf32, #tpu.memory_space<vmem>>, %arg2: memref<2x1000x128xf32, #tpu.memory_space<vmem>>, %arg3: memref<128x128xf32, #tpu.memory_space<vmem>>, %arg4: memref<1x128xf32, #tpu.memory_space<vmem>>, %arg5: memref<1x128xf32, #tpu.memory_space<vmem>>, %arg6: memref<1x128xf32, #tpu.memory_space<vmem>>, %arg7: memref<128x128xf32, #tpu.memory_space<vmem>>, %arg8: memref<1x128xf32, #tpu.memory_space<vmem>>, %arg9: memref<1000x128xf32, #tpu.memory_space<vmem>>) attributes {dimension_semantics = [#tpu.dimension_semantics<arbitrary>], iteration_bounds = array<i64: 10>, scalar_prefetch = 0 : i64, scratch_operands = 0 : i64, tpu.core_type = #tpu.core_type<tc>, window_params = [{transform_indices = @transform_0, window_bounds = array<i64: 1000, 128>}, {transform_indices = @transform_1, window_bounds = array<i64: 2, 1000, 128>}, {pipeline_mode = #tpu.pipeline_mode<synchronous>, transform_indices = @transform_2, window_bounds = array<i64: 128, 128>}, {pipeline_mode = #tpu.pipeline_mode<synchronous>, transform_indices = @transform_3, window_bounds = array<i64: 1, 128>}, {pipeline_mode = #tpu.pipeline_mode<synchronous>, transform_indices = @transform_4, window_bounds = array<i64: 1, 128>}, {pipeline_mode = #tpu.pipeline_mode<synchronous>, transform_indices = @transform_5, window_bounds = array<i64: 1, 128>}, {pipeline_mode = #tpu.pipeline_mode<synchronous>, transform_indices = @transform_6, window_bounds = array<i64: 128, 128>}, {pipeline_mode = #tpu.pipeline_mode<synchronous>, transform_indices = @transform_7, window_bounds = array<i64: 1, 128>}, {transform_indices = @transform_8, window_bounds = array<i64: 1000, 128>}]} {
    %get3A = arith.constant 0 : index
    %get3A_0 = arith.constant 0 : index
    %get3A_1 = vector.load %arg1[%get3A, %get3A_0] : memref<1000x128xf32, #tpu.memory_space<vmem>>, vector<1000x128xf32>
    %get3A_2 = arith.constant 0 : index
    %get3A_3 = arith.constant 0 : index
    %get3A_4 = arith.constant 0 : index
    %get3A_5 = vector.load %arg2[%get3A_2, %get3A_3, %get3A_4] : memref<2x1000x128xf32, #tpu.memory_space<vmem>>, vector<1x1000x128xf32>
    %get3A_6 = vector.shape_cast %get3A_5 : vector<1x1000x128xf32> to vector<1000x128xf32>
    %add3A = arith.addf %get3A_1, %get3A_6 : vector<1000x128xf32>
    %get3A_7 = arith.constant 1 : index
    %get3A_8 = arith.constant 0 : index
    %get3A_9 = arith.constant 0 : index
    %get3A_10 = vector.load %arg2[%get3A_7, %get3A_8, %get3A_9] : memref<2x1000x128xf32, #tpu.memory_space<vmem>>, vector<1x1000x128xf32>
    %get3A_11 = vector.shape_cast %get3A_10 : vector<1x1000x128xf32> to vector<1000x128xf32>
    %add3A_12 = arith.addf %add3A, %get3A_11 : vector<1000x128xf32>
    %get3A_13 = arith.constant 0 : index
    %get3A_14 = arith.constant 0 : index
    %get3A_15 = vector.load %arg3[%get3A_13, %get3A_14] : memref<128x128xf32, #tpu.memory_space<vmem>>, vector<128x128xf32>
    %dot_general3A = arith.constant dense<0.000000e+00> : vector<1000x128xf32>
    %dot_general3A_16 = tpu.matmul %add3A_12, %get3A_15, %dot_general3A {dimension_numbers = #tpu.dot_dimension_numbers<[1], [1], [0], [0], [0, 0, 1, 0], [], []>, transpose_lhs_hint = false} : vector<1000x128xf32>, vector<128x128xf32>, vector<1000x128xf32> -> vector<1000x128xf32>
    %get3A_17 = arith.constant 0 : index
    %get3A_18 = arith.constant 0 : index
    %get3A_19 = vector.load %arg4[%get3A_17, %get3A_18] : memref<1x128xf32, #tpu.memory_space<vmem>>, vector<1x128xf32>
    %add3A_20 = vector.broadcast %get3A_19 : vector<1x128xf32> to vector<1000x128xf32>
    %add3A_21 = arith.addf %dot_general3A_16, %add3A_20 : vector<1000x128xf32>
    %get3A_22 = arith.constant 0 : index
    %get3A_23 = arith.constant 0 : index
    %get3A_24 = vector.load %arg5[%get3A_22, %get3A_23] : memref<1x128xf32, #tpu.memory_space<vmem>>, vector<1x128xf32>
    %sqrt3A = arith.constant 1.000010e+00 : f32
    %sqrt3A_25 = math.sqrt %sqrt3A : f32
    %div3A = vector.broadcast %sqrt3A_25 : f32 to vector<1x128xf32>
    %div3A_26 = arith.divf %get3A_24, %div3A : vector<1x128xf32>
    %mul3A = vector.broadcast %div3A_26 : vector<1x128xf32> to vector<1000x128xf32>
    %mul3A_27 = arith.mulf %add3A_21, %mul3A : vector<1000x128xf32>
    %get3A_28 = arith.constant 0 : index
    %get3A_29 = arith.constant 0 : index
    %get3A_30 = vector.load %arg6[%get3A_28, %get3A_29] : memref<1x128xf32, #tpu.memory_space<vmem>>, vector<1x128xf32>
    %add3A_31 = vector.broadcast %get3A_30 : vector<1x128xf32> to vector<1000x128xf32>
    %add3A_32 = arith.addf %mul3A_27, %add3A_31 : vector<1000x128xf32>
    %max3A = arith.constant 0.000000e+00 : f32
    %max3A_33 = vector.broadcast %max3A : f32 to vector<1000x128xf32>
    %max3A_34 = arith.maximumf %add3A_32, %max3A_33 : vector<1000x128xf32>
    %get3A_35 = arith.constant 0 : index
    %get3A_36 = arith.constant 0 : index
    %get3A_37 = vector.load %arg7[%get3A_35, %get3A_36] : memref<128x128xf32, #tpu.memory_space<vmem>>, vector<128x128xf32>
    %dot_general3A_38 = arith.constant dense<0.000000e+00> : vector<1000x128xf32>
    %dot_general3A_39 = tpu.matmul %max3A_34, %get3A_37, %dot_general3A_38 {dimension_numbers = #tpu.dot_dimension_numbers<[1], [1], [0], [0], [0, 0, 1, 0], [], []>, transpose_lhs_hint = false} : vector<1000x128xf32>, vector<128x128xf32>, vector<1000x128xf32> -> vector<1000x128xf32>
    %get3A_40 = arith.constant 0 : index
    %get3A_41 = arith.constant 0 : index
    %get3A_42 = vector.load %arg8[%get3A_40, %get3A_41] : memref<1x128xf32, #tpu.memory_space<vmem>>, vector<1x128xf32>
    %add3A_43 = vector.broadcast %get3A_42 : vector<1x128xf32> to vector<1000x128xf32>
    %add3A_44 = arith.addf %dot_general3A_39, %add3A_43 : vector<1000x128xf32>
    %max3A_45 = arith.constant 0.000000e+00 : f32
    %max3A_46 = vector.broadcast %max3A_45 : f32 to vector<1000x128xf32>
    %max3A_47 = arith.maximumf %add3A_44, %max3A_46 : vector<1000x128xf32>
    %swap3A = arith.constant 0 : index
    %swap3A_48 = arith.constant 0 : index
    %swap3A_49 = vector.load %arg9[%swap3A, %swap3A_48] : memref<1000x128xf32, #tpu.memory_space<vmem>>, vector<1000x128xf32>
    tpu.vector_store %arg9[%swap3A, %swap3A_48], %max3A_47 {strides = array<i32>} : memref<1000x128xf32, #tpu.memory_space<vmem>>, vector<1000x128xf32>,
    return
  }
  func.func @transform_0(%arg0: i32) -> (i32, i32) {
    %c0_i32 = arith.constant 0 : i32
    %c0_i32_0 = arith.constant 0 : i32
    return %arg0, %c0_i32 : i32, i32
  }
  func.func @transform_1(%arg0: i32) -> (i32, i32, i32) {
    %c0_i32 = arith.constant 0 : i32
    %c0_i32_0 = arith.constant 0 : i32
    %c0_i32_1 = arith.constant 0 : i32
    return %c0_i32, %arg0, %c0_i32_0 : i32, i32, i32
  }
  func.func @transform_2(%arg0: i32) -> (i32, i32) {
    %c0_i32 = arith.constant 0 : i32
    %c0_i32_0 = arith.constant 0 : i32
    %c0_i32_1 = arith.constant 0 : i32
    return %c0_i32, %c0_i32_0 : i32, i32
  }
  func.func @transform_3(%arg0: i32) -> (i32, i32) {
    %c0_i32 = arith.constant 0 : i32
    %c0_i32_0 = arith.constant 0 : i32
    %c0_i32_1 = arith.constant 0 : i32
    return %c0_i32, %c0_i32_0 : i32, i32
  }
  func.func @transform_4(%arg0: i32) -> (i32, i32) {
    %c0_i32 = arith.constant 0 : i32
    %c0_i32_0 = arith.constant 0 : i32
    %c0_i32_1 = arith.constant 0 : i32
    return %c0_i32, %c0_i32_0 : i32, i32
  }
  func.func @transform_5(%arg0: i32) -> (i32, i32) {
    %c0_i32 = arith.constant 0 : i32
    %c0_i32_0 = arith.constant 0 : i32
    %c0_i32_1 = arith.constant 0 : i32
    return %c0_i32, %c0_i32_0 : i32, i32
  }
  func.func @transform_6(%arg0: i32) -> (i32, i32) {
    %c0_i32 = arith.constant 0 : i32
    %c0_i32_0 = arith.constant 0 : i32
    %c0_i32_1 = arith.constant 0 : i32
    return %c0_i32, %c0_i32_0 : i32, i32
  }
  func.func @transform_7(%arg0: i32) -> (i32, i32) {
    %c0_i32 = arith.constant 0 : i32
    %c0_i32_0 = arith.constant 0 : i32
    %c0_i32_1 = arith.constant 0 : i32
    return %c0_i32, %c0_i32_0 : i32, i32
  }
  func.func @transform_8(%arg0: i32) -> (i32, i32) {
    %c0_i32 = arith.constant 0 : i32
    %c0_i32_0 = arith.constant 0 : i32
    return %arg0, %c0_i32 : i32, i32
  }
}

module attributes {stable_mosaic.version = 14 : i64} {
  func.func @_head_body(%arg0: memref<64x128xf32, #tpu.memory_space<vmem>>, %arg1: memref<4x8192xf32, #tpu.memory_space<vmem>>, %arg2: memref<4x8192xf32, #tpu.memory_space<vmem>>, %arg3: memref<4x8192xf32, #tpu.memory_space<vmem>>, %arg4: memref<4x25xf32, #tpu.memory_space<vmem>>, %arg5: memref<4x25xf32, #tpu.memory_space<vmem>>, %arg6: memref<4x25xf32, #tpu.memory_space<vmem>>, %arg7: memref<4x25x25xf32, #tpu.memory_space<vmem>>, %arg8: memref<4x25xf32, #tpu.memory_space<vmem>>, %arg9: memref<128x100xf32, #tpu.memory_space<vmem>>, %arg10: memref<1x128xf32, #tpu.memory_space<vmem>>, %arg11: memref<128x128xf32, #tpu.memory_space<vmem>>, %arg12: memref<1x128xf32, #tpu.memory_space<vmem>>, %arg13: memref<128x256xf32, #tpu.memory_space<vmem>>, %arg14: memref<1x128xf32, #tpu.memory_space<vmem>>, %arg15: memref<2x128xf32, #tpu.memory_space<vmem>>, %arg16: memref<1x2xf32, #tpu.memory_space<vmem>>, %arg17: memref<64x2xf32, #tpu.memory_space<vmem>>) attributes {dimension_semantics = [], scalar_prefetch = 0 : i64, scratch_operands = 0 : i64, tpu.core_type = #tpu.core_type<tc>} {
    %get3A = arith.constant 0 : index
    %get3A_0 = arith.constant 0 : index
    %get3A_1 = vector.load %arg1[%get3A, %get3A_0] : memref<4x8192xf32, #tpu.memory_space<vmem>>, vector<1x8192xf32>
    %get3A_2 = vector.shape_cast %get3A_1 : vector<1x8192xf32> to vector<8192xf32>
    %broadcast_in_dim3A = vector.shape_cast %get3A_2 : vector<8192xf32> to vector<8192x1xf32>
    %get3A_3 = arith.constant 0 : index
    %get3A_4 = arith.constant 0 : index
    %get3A_5 = vector.load %arg4[%get3A_3, %get3A_4] : memref<4x25xf32, #tpu.memory_space<vmem>>, vector<1x25xf32>
    %get3A_6 = vector.shape_cast %get3A_5 : vector<1x25xf32> to vector<25xf32>
    %broadcast_in_dim3A_7 = vector.shape_cast %get3A_6 : vector<25xf32> to vector<1x25xf32>
    %mul3A = vector.broadcast %broadcast_in_dim3A : vector<8192x1xf32> to vector<8192x25xf32>
    %mul3A_8 = vector.broadcast %broadcast_in_dim3A_7 : vector<1x25xf32> to vector<8192x25xf32>
    %mul3A_9 = arith.mulf %mul3A, %mul3A_8 : vector<8192x25xf32>
    %get3A_10 = arith.constant 0 : index
    %get3A_11 = arith.constant 0 : index
    %get3A_12 = vector.load %arg2[%get3A_10, %get3A_11] : memref<4x8192xf32, #tpu.memory_space<vmem>>, vector<1x8192xf32>
    %get3A_13 = vector.shape_cast %get3A_12 : vector<1x8192xf32> to vector<8192xf32>
    %broadcast_in_dim3A_14 = vector.shape_cast %get3A_13 : vector<8192xf32> to vector<8192x1xf32>
    %get3A_15 = arith.constant 0 : index
    %get3A_16 = arith.constant 0 : index
    %get3A_17 = vector.load %arg5[%get3A_15, %get3A_16] : memref<4x25xf32, #tpu.memory_space<vmem>>, vector<1x25xf32>
    %get3A_18 = vector.shape_cast %get3A_17 : vector<1x25xf32> to vector<25xf32>
    %broadcast_in_dim3A_19 = vector.shape_cast %get3A_18 : vector<25xf32> to vector<1x25xf32>
    %mul3A_20 = vector.broadcast %broadcast_in_dim3A_14 : vector<8192x1xf32> to vector<8192x25xf32>
    %mul3A_21 = vector.broadcast %broadcast_in_dim3A_19 : vector<1x25xf32> to vector<8192x25xf32>
    %mul3A_22 = arith.mulf %mul3A_20, %mul3A_21 : vector<8192x25xf32>
    %add3A = arith.addf %mul3A_9, %mul3A_22 : vector<8192x25xf32>
    %get3A_23 = arith.constant 0 : index
    %get3A_24 = arith.constant 0 : index
    %get3A_25 = vector.load %arg6[%get3A_23, %get3A_24] : memref<4x25xf32, #tpu.memory_space<vmem>>, vector<1x25xf32>
    %get3A_26 = vector.shape_cast %get3A_25 : vector<1x25xf32> to vector<25xf32>
    %broadcast_in_dim3A_27 = vector.shape_cast %get3A_26 : vector<25xf32> to vector<1x25xf32>
    %add3A_28 = vector.broadcast %broadcast_in_dim3A_27 : vector<1x25xf32> to vector<8192x25xf32>
    %add3A_29 = arith.addf %add3A, %add3A_28 : vector<8192x25xf32>
    %max3A = arith.constant 0.000000e+00 : f32
    %max3A_30 = vector.broadcast %max3A : f32 to vector<8192x25xf32>
    %max3A_31 = arith.maximumf %add3A_29, %max3A_30 : vector<8192x25xf32>
    %get3A_32 = arith.constant 0 : index
    %get3A_33 = arith.constant 0 : index
    %get3A_34 = arith.constant 0 : index
    %get3A_35 = vector.load %arg7[%get3A_32, %get3A_33, %get3A_34] : memref<4x25x25xf32, #tpu.memory_space<vmem>>, vector<1x25x25xf32>
    %get3A_36 = vector.shape_cast %get3A_35 : vector<1x25x25xf32> to vector<25x25xf32>
    %dot_general3A = arith.constant dense<0.000000e+00> : vector<8192x25xf32>
    %dot_general3A_37 = tpu.matmul %max3A_31, %get3A_36, %dot_general3A {dimension_numbers = #tpu.dot_dimension_numbers<[1], [1], [0], [0], [0, 0, 1, 0], [], []>, transpose_lhs_hint = false} : vector<8192x25xf32>, vector<25x25xf32>, vector<8192x25xf32> -> vector<8192x25xf32>
    %get3A_38 = arith.constant 0 : index
    %get3A_39 = arith.constant 0 : index
    %get3A_40 = vector.load %arg8[%get3A_38, %get3A_39] : memref<4x25xf32, #tpu.memory_space<vmem>>, vector<1x25xf32>
    %get3A_41 = vector.shape_cast %get3A_40 : vector<1x25xf32> to vector<25xf32>
    %broadcast_in_dim3A_42 = vector.shape_cast %get3A_41 : vector<25xf32> to vector<1x25xf32>
    %add3A_43 = vector.broadcast %broadcast_in_dim3A_42 : vector<1x25xf32> to vector<8192x25xf32>
    %add3A_44 = arith.addf %dot_general3A_37, %add3A_43 : vector<8192x25xf32>
    %get3A_45 = arith.constant 0 : index
    %get3A_46 = arith.constant 0 : index
    %get3A_47 = vector.load %arg3[%get3A_45, %get3A_46] : memref<4x8192xf32, #tpu.memory_space<vmem>>, vector<1x8192xf32>
    %get3A_48 = vector.shape_cast %get3A_47 : vector<1x8192xf32> to vector<8192xf32>
    %broadcast_in_dim3A_49 = vector.shape_cast %get3A_48 : vector<8192xf32> to vector<8192x1xf32>
    %gt3A = arith.constant 5.000000e-01 : f32
    %gt3A_50 = vector.broadcast %gt3A : f32 to vector<8192x1xf32>
    %gt3A_51 = arith.cmpf ogt, %broadcast_in_dim3A_49, %gt3A_50 : vector<8192x1xf32>
    %jit3A = arith.constant 0xFF800000 : f32
    %broadcast_in_dim3A_52 = vector.shape_cast %gt3A_51 : vector<8192x1xi1> to vector<8192x1xi1>
    %broadcast_in_dim3A_53 = vector.broadcast %broadcast_in_dim3A_52 : vector<8192x1xi1> to vector<8192x25xi1>
    %broadcast_in_dim3A_54 = vector.broadcast %jit3A : f32 to vector<8192x25xf32>
    %select_n3A = arith.select %broadcast_in_dim3A_53, %add3A_44, %broadcast_in_dim3A_54 : vector<8192x25xi1>, vector<8192x25xf32>
    %reshape3A = vector.shape_cast %select_n3A : vector<8192x25xf32> to vector<64x128x25xf32>
    %reduce_max3A = arith.constant dense<0xFF800000> : vector<64x25xf32>
    %reduce_max3A_55 = vector.multi_reduction <maximumf>, %reshape3A, %reduce_max3A [1] : vector<64x128x25xf32> to vector<64x25xf32>
    %eq3A = arith.constant 0xFF800000 : f32
    %eq3A_56 = vector.broadcast %eq3A : f32 to vector<64x25xf32>
    %eq3A_57 = arith.cmpf oeq, %reduce_max3A_55, %eq3A_56 : vector<64x25xf32>
    %jit3A_58 = arith.constant 0.000000e+00 : f32
    %broadcast_in_dim3A_59 = vector.broadcast %jit3A_58 : f32 to vector<64x25xf32>
    %select_n3A_60 = arith.select %eq3A_57, %broadcast_in_dim3A_59, %reduce_max3A_55 : vector<64x25xi1>, vector<64x25xf32>
    %get3A_61 = arith.constant 1 : index
    %get3A_62 = arith.constant 0 : index
    %get3A_63 = vector.load %arg1[%get3A_61, %get3A_62] : memref<4x8192xf32, #tpu.memory_space<vmem>>, vector<1x8192xf32>
    %get3A_64 = vector.shape_cast %get3A_63 : vector<1x8192xf32> to vector<8192xf32>
    %broadcast_in_dim3A_65 = vector.shape_cast %get3A_64 : vector<8192xf32> to vector<8192x1xf32>
    %get3A_66 = arith.constant 1 : index
    %get3A_67 = arith.constant 0 : index
    %get3A_68 = vector.load %arg4[%get3A_66, %get3A_67] : memref<4x25xf32, #tpu.memory_space<vmem>>, vector<1x25xf32>
    %get3A_69 = vector.shape_cast %get3A_68 : vector<1x25xf32> to vector<25xf32>
    %broadcast_in_dim3A_70 = vector.shape_cast %get3A_69 : vector<25xf32> to vector<1x25xf32>
    %mul3A_71 = vector.broadcast %broadcast_in_dim3A_65 : vector<8192x1xf32> to vector<8192x25xf32>
    %mul3A_72 = vector.broadcast %broadcast_in_dim3A_70 : vector<1x25xf32> to vector<8192x25xf32>
    %mul3A_73 = arith.mulf %mul3A_71, %mul3A_72 : vector<8192x25xf32>
    %get3A_74 = arith.constant 1 : index
    %get3A_75 = arith.constant 0 : index
    %get3A_76 = vector.load %arg2[%get3A_74, %get3A_75] : memref<4x8192xf32, #tpu.memory_space<vmem>>, vector<1x8192xf32>
    %get3A_77 = vector.shape_cast %get3A_76 : vector<1x8192xf32> to vector<8192xf32>
    %broadcast_in_dim3A_78 = vector.shape_cast %get3A_77 : vector<8192xf32> to vector<8192x1xf32>
    %get3A_79 = arith.constant 1 : index
    %get3A_80 = arith.constant 0 : index
    %get3A_81 = vector.load %arg5[%get3A_79, %get3A_80] : memref<4x25xf32, #tpu.memory_space<vmem>>, vector<1x25xf32>
    %get3A_82 = vector.shape_cast %get3A_81 : vector<1x25xf32> to vector<25xf32>
    %broadcast_in_dim3A_83 = vector.shape_cast %get3A_82 : vector<25xf32> to vector<1x25xf32>
    %mul3A_84 = vector.broadcast %broadcast_in_dim3A_78 : vector<8192x1xf32> to vector<8192x25xf32>
    %mul3A_85 = vector.broadcast %broadcast_in_dim3A_83 : vector<1x25xf32> to vector<8192x25xf32>
    %mul3A_86 = arith.mulf %mul3A_84, %mul3A_85 : vector<8192x25xf32>
    %add3A_87 = arith.addf %mul3A_73, %mul3A_86 : vector<8192x25xf32>
    %get3A_88 = arith.constant 1 : index
    %get3A_89 = arith.constant 0 : index
    %get3A_90 = vector.load %arg6[%get3A_88, %get3A_89] : memref<4x25xf32, #tpu.memory_space<vmem>>, vector<1x25xf32>
    %get3A_91 = vector.shape_cast %get3A_90 : vector<1x25xf32> to vector<25xf32>
    %broadcast_in_dim3A_92 = vector.shape_cast %get3A_91 : vector<25xf32> to vector<1x25xf32>
    %add3A_93 = vector.broadcast %broadcast_in_dim3A_92 : vector<1x25xf32> to vector<8192x25xf32>
    %add3A_94 = arith.addf %add3A_87, %add3A_93 : vector<8192x25xf32>
    %max3A_95 = arith.constant 0.000000e+00 : f32
    %max3A_96 = vector.broadcast %max3A_95 : f32 to vector<8192x25xf32>
    %max3A_97 = arith.maximumf %add3A_94, %max3A_96 : vector<8192x25xf32>
    %get3A_98 = arith.constant 1 : index
    %get3A_99 = arith.constant 0 : index
    %get3A_100 = arith.constant 0 : index
    %get3A_101 = vector.load %arg7[%get3A_98, %get3A_99, %get3A_100] : memref<4x25x25xf32, #tpu.memory_space<vmem>>, vector<1x25x25xf32>
    %get3A_102 = vector.shape_cast %get3A_101 : vector<1x25x25xf32> to vector<25x25xf32>
    %dot_general3A_103 = arith.constant dense<0.000000e+00> : vector<8192x25xf32>
    %dot_general3A_104 = tpu.matmul %max3A_97, %get3A_102, %dot_general3A_103 {dimension_numbers = #tpu.dot_dimension_numbers<[1], [1], [0], [0], [0, 0, 1, 0], [], []>, transpose_lhs_hint = false} : vector<8192x25xf32>, vector<25x25xf32>, vector<8192x25xf32> -> vector<8192x25xf32>
    %get3A_105 = arith.constant 1 : index
    %get3A_106 = arith.constant 0 : index
    %get3A_107 = vector.load %arg8[%get3A_105, %get3A_106] : memref<4x25xf32, #tpu.memory_space<vmem>>, vector<1x25xf32>
    %get3A_108 = vector.shape_cast %get3A_107 : vector<1x25xf32> to vector<25xf32>
    %broadcast_in_dim3A_109 = vector.shape_cast %get3A_108 : vector<25xf32> to vector<1x25xf32>
    %add3A_110 = vector.broadcast %broadcast_in_dim3A_109 : vector<1x25xf32> to vector<8192x25xf32>
    %add3A_111 = arith.addf %dot_general3A_104, %add3A_110 : vector<8192x25xf32>
    %get3A_112 = arith.constant 1 : index
    %get3A_113 = arith.constant 0 : index
    %get3A_114 = vector.load %arg3[%get3A_112, %get3A_113] : memref<4x8192xf32, #tpu.memory_space<vmem>>, vector<1x8192xf32>
    %get3A_115 = vector.shape_cast %get3A_114 : vector<1x8192xf32> to vector<8192xf32>
    %broadcast_in_dim3A_116 = vector.shape_cast %get3A_115 : vector<8192xf32> to vector<8192x1xf32>
    %gt3A_117 = arith.constant 5.000000e-01 : f32
    %gt3A_118 = vector.broadcast %gt3A_117 : f32 to vector<8192x1xf32>
    %gt3A_119 = arith.cmpf ogt, %broadcast_in_dim3A_116, %gt3A_118 : vector<8192x1xf32>
    %jit3A_120 = arith.constant 0xFF800000 : f32
    %broadcast_in_dim3A_121 = vector.shape_cast %gt3A_119 : vector<8192x1xi1> to vector<8192x1xi1>
    %broadcast_in_dim3A_122 = vector.broadcast %broadcast_in_dim3A_121 : vector<8192x1xi1> to vector<8192x25xi1>
    %broadcast_in_dim3A_123 = vector.broadcast %jit3A_120 : f32 to vector<8192x25xf32>
    %select_n3A_124 = arith.select %broadcast_in_dim3A_122, %add3A_111, %broadcast_in_dim3A_123 : vector<8192x25xi1>, vector<8192x25xf32>
    %reshape3A_125 = vector.shape_cast %select_n3A_124 : vector<8192x25xf32> to vector<64x128x25xf32>
    %reduce_max3A_126 = arith.constant dense<0xFF800000> : vector<64x25xf32>
    %reduce_max3A_127 = vector.multi_reduction <maximumf>, %reshape3A_125, %reduce_max3A_126 [1] : vector<64x128x25xf32> to vector<64x25xf32>
    %eq3A_128 = arith.constant 0xFF800000 : f32
    %eq3A_129 = vector.broadcast %eq3A_128 : f32 to vector<64x25xf32>
    %eq3A_130 = arith.cmpf oeq, %reduce_max3A_127, %eq3A_129 : vector<64x25xf32>
    %jit3A_131 = arith.constant 0.000000e+00 : f32
    %broadcast_in_dim3A_132 = vector.broadcast %jit3A_131 : f32 to vector<64x25xf32>
    %select_n3A_133 = arith.select %eq3A_130, %broadcast_in_dim3A_132, %reduce_max3A_127 : vector<64x25xi1>, vector<64x25xf32>
    %get3A_134 = arith.constant 2 : index
    %get3A_135 = arith.constant 0 : index
    %get3A_136 = vector.load %arg1[%get3A_134, %get3A_135] : memref<4x8192xf32, #tpu.memory_space<vmem>>, vector<1x8192xf32>
    %get3A_137 = vector.shape_cast %get3A_136 : vector<1x8192xf32> to vector<8192xf32>
    %broadcast_in_dim3A_138 = vector.shape_cast %get3A_137 : vector<8192xf32> to vector<8192x1xf32>
    %get3A_139 = arith.constant 2 : index
    %get3A_140 = arith.constant 0 : index
    %get3A_141 = vector.load %arg4[%get3A_139, %get3A_140] : memref<4x25xf32, #tpu.memory_space<vmem>>, vector<1x25xf32>
    %get3A_142 = vector.shape_cast %get3A_141 : vector<1x25xf32> to vector<25xf32>
    %broadcast_in_dim3A_143 = vector.shape_cast %get3A_142 : vector<25xf32> to vector<1x25xf32>
    %mul3A_144 = vector.broadcast %broadcast_in_dim3A_138 : vector<8192x1xf32> to vector<8192x25xf32>
    %mul3A_145 = vector.broadcast %broadcast_in_dim3A_143 : vector<1x25xf32> to vector<8192x25xf32>
    %mul3A_146 = arith.mulf %mul3A_144, %mul3A_145 : vector<8192x25xf32>
    %get3A_147 = arith.constant 2 : index
    %get3A_148 = arith.constant 0 : index
    %get3A_149 = vector.load %arg2[%get3A_147, %get3A_148] : memref<4x8192xf32, #tpu.memory_space<vmem>>, vector<1x8192xf32>
    %get3A_150 = vector.shape_cast %get3A_149 : vector<1x8192xf32> to vector<8192xf32>
    %broadcast_in_dim3A_151 = vector.shape_cast %get3A_150 : vector<8192xf32> to vector<8192x1xf32>
    %get3A_152 = arith.constant 2 : index
    %get3A_153 = arith.constant 0 : index
    %get3A_154 = vector.load %arg5[%get3A_152, %get3A_153] : memref<4x25xf32, #tpu.memory_space<vmem>>, vector<1x25xf32>
    %get3A_155 = vector.shape_cast %get3A_154 : vector<1x25xf32> to vector<25xf32>
    %broadcast_in_dim3A_156 = vector.shape_cast %get3A_155 : vector<25xf32> to vector<1x25xf32>
    %mul3A_157 = vector.broadcast %broadcast_in_dim3A_151 : vector<8192x1xf32> to vector<8192x25xf32>
    %mul3A_158 = vector.broadcast %broadcast_in_dim3A_156 : vector<1x25xf32> to vector<8192x25xf32>
    %mul3A_159 = arith.mulf %mul3A_157, %mul3A_158 : vector<8192x25xf32>
    %add3A_160 = arith.addf %mul3A_146, %mul3A_159 : vector<8192x25xf32>
    %get3A_161 = arith.constant 2 : index
    %get3A_162 = arith.constant 0 : index
    %get3A_163 = vector.load %arg6[%get3A_161, %get3A_162] : memref<4x25xf32, #tpu.memory_space<vmem>>, vector<1x25xf32>
    %get3A_164 = vector.shape_cast %get3A_163 : vector<1x25xf32> to vector<25xf32>
    %broadcast_in_dim3A_165 = vector.shape_cast %get3A_164 : vector<25xf32> to vector<1x25xf32>
    %add3A_166 = vector.broadcast %broadcast_in_dim3A_165 : vector<1x25xf32> to vector<8192x25xf32>
    %add3A_167 = arith.addf %add3A_160, %add3A_166 : vector<8192x25xf32>
    %max3A_168 = arith.constant 0.000000e+00 : f32
    %max3A_169 = vector.broadcast %max3A_168 : f32 to vector<8192x25xf32>
    %max3A_170 = arith.maximumf %add3A_167, %max3A_169 : vector<8192x25xf32>
    %get3A_171 = arith.constant 2 : index
    %get3A_172 = arith.constant 0 : index
    %get3A_173 = arith.constant 0 : index
    %get3A_174 = vector.load %arg7[%get3A_171, %get3A_172, %get3A_173] : memref<4x25x25xf32, #tpu.memory_space<vmem>>, vector<1x25x25xf32>
    %get3A_175 = vector.shape_cast %get3A_174 : vector<1x25x25xf32> to vector<25x25xf32>
    %dot_general3A_176 = arith.constant dense<0.000000e+00> : vector<8192x25xf32>
    %dot_general3A_177 = tpu.matmul %max3A_170, %get3A_175, %dot_general3A_176 {dimension_numbers = #tpu.dot_dimension_numbers<[1], [1], [0], [0], [0, 0, 1, 0], [], []>, transpose_lhs_hint = false} : vector<8192x25xf32>, vector<25x25xf32>, vector<8192x25xf32> -> vector<8192x25xf32>
    %get3A_178 = arith.constant 2 : index
    %get3A_179 = arith.constant 0 : index
    %get3A_180 = vector.load %arg8[%get3A_178, %get3A_179] : memref<4x25xf32, #tpu.memory_space<vmem>>, vector<1x25xf32>
    %get3A_181 = vector.shape_cast %get3A_180 : vector<1x25xf32> to vector<25xf32>
    %broadcast_in_dim3A_182 = vector.shape_cast %get3A_181 : vector<25xf32> to vector<1x25xf32>
    %add3A_183 = vector.broadcast %broadcast_in_dim3A_182 : vector<1x25xf32> to vector<8192x25xf32>
    %add3A_184 = arith.addf %dot_general3A_177, %add3A_183 : vector<8192x25xf32>
    %get3A_185 = arith.constant 2 : index
    %get3A_186 = arith.constant 0 : index
    %get3A_187 = vector.load %arg3[%get3A_185, %get3A_186] : memref<4x8192xf32, #tpu.memory_space<vmem>>, vector<1x8192xf32>
    %get3A_188 = vector.shape_cast %get3A_187 : vector<1x8192xf32> to vector<8192xf32>
    %broadcast_in_dim3A_189 = vector.shape_cast %get3A_188 : vector<8192xf32> to vector<8192x1xf32>
    %gt3A_190 = arith.constant 5.000000e-01 : f32
    %gt3A_191 = vector.broadcast %gt3A_190 : f32 to vector<8192x1xf32>
    %gt3A_192 = arith.cmpf ogt, %broadcast_in_dim3A_189, %gt3A_191 : vector<8192x1xf32>
    %jit3A_193 = arith.constant 0xFF800000 : f32
    %broadcast_in_dim3A_194 = vector.shape_cast %gt3A_192 : vector<8192x1xi1> to vector<8192x1xi1>
    %broadcast_in_dim3A_195 = vector.broadcast %broadcast_in_dim3A_194 : vector<8192x1xi1> to vector<8192x25xi1>
    %broadcast_in_dim3A_196 = vector.broadcast %jit3A_193 : f32 to vector<8192x25xf32>
    %select_n3A_197 = arith.select %broadcast_in_dim3A_195, %add3A_184, %broadcast_in_dim3A_196 : vector<8192x25xi1>, vector<8192x25xf32>
    %reshape3A_198 = vector.shape_cast %select_n3A_197 : vector<8192x25xf32> to vector<64x128x25xf32>
    %reduce_max3A_199 = arith.constant dense<0xFF800000> : vector<64x25xf32>
    %reduce_max3A_200 = vector.multi_reduction <maximumf>, %reshape3A_198, %reduce_max3A_199 [1] : vector<64x128x25xf32> to vector<64x25xf32>
    %eq3A_201 = arith.constant 0xFF800000 : f32
    %eq3A_202 = vector.broadcast %eq3A_201 : f32 to vector<64x25xf32>
    %eq3A_203 = arith.cmpf oeq, %reduce_max3A_200, %eq3A_202 : vector<64x25xf32>
    %jit3A_204 = arith.constant 0.000000e+00 : f32
    %broadcast_in_dim3A_205 = vector.broadcast %jit3A_204 : f32 to vector<64x25xf32>
    %select_n3A_206 = arith.select %eq3A_203, %broadcast_in_dim3A_205, %reduce_max3A_200 : vector<64x25xi1>, vector<64x25xf32>
    %get3A_207 = arith.constant 3 : index
    %get3A_208 = arith.constant 0 : index
    %get3A_209 = vector.load %arg1[%get3A_207, %get3A_208] : memref<4x8192xf32, #tpu.memory_space<vmem>>, vector<1x8192xf32>
    %get3A_210 = vector.shape_cast %get3A_209 : vector<1x8192xf32> to vector<8192xf32>
    %broadcast_in_dim3A_211 = vector.shape_cast %get3A_210 : vector<8192xf32> to vector<8192x1xf32>
    %get3A_212 = arith.constant 3 : index
    %get3A_213 = arith.constant 0 : index
    %get3A_214 = vector.load %arg4[%get3A_212, %get3A_213] : memref<4x25xf32, #tpu.memory_space<vmem>>, vector<1x25xf32>
    %get3A_215 = vector.shape_cast %get3A_214 : vector<1x25xf32> to vector<25xf32>
    %broadcast_in_dim3A_216 = vector.shape_cast %get3A_215 : vector<25xf32> to vector<1x25xf32>
    %mul3A_217 = vector.broadcast %broadcast_in_dim3A_211 : vector<8192x1xf32> to vector<8192x25xf32>
    %mul3A_218 = vector.broadcast %broadcast_in_dim3A_216 : vector<1x25xf32> to vector<8192x25xf32>
    %mul3A_219 = arith.mulf %mul3A_217, %mul3A_218 : vector<8192x25xf32>
    %get3A_220 = arith.constant 3 : index
    %get3A_221 = arith.constant 0 : index
    %get3A_222 = vector.load %arg2[%get3A_220, %get3A_221] : memref<4x8192xf32, #tpu.memory_space<vmem>>, vector<1x8192xf32>
    %get3A_223 = vector.shape_cast %get3A_222 : vector<1x8192xf32> to vector<8192xf32>
    %broadcast_in_dim3A_224 = vector.shape_cast %get3A_223 : vector<8192xf32> to vector<8192x1xf32>
    %get3A_225 = arith.constant 3 : index
    %get3A_226 = arith.constant 0 : index
    %get3A_227 = vector.load %arg5[%get3A_225, %get3A_226] : memref<4x25xf32, #tpu.memory_space<vmem>>, vector<1x25xf32>
    %get3A_228 = vector.shape_cast %get3A_227 : vector<1x25xf32> to vector<25xf32>
    %broadcast_in_dim3A_229 = vector.shape_cast %get3A_228 : vector<25xf32> to vector<1x25xf32>
    %mul3A_230 = vector.broadcast %broadcast_in_dim3A_224 : vector<8192x1xf32> to vector<8192x25xf32>
    %mul3A_231 = vector.broadcast %broadcast_in_dim3A_229 : vector<1x25xf32> to vector<8192x25xf32>
    %mul3A_232 = arith.mulf %mul3A_230, %mul3A_231 : vector<8192x25xf32>
    %add3A_233 = arith.addf %mul3A_219, %mul3A_232 : vector<8192x25xf32>
    %get3A_234 = arith.constant 3 : index
    %get3A_235 = arith.constant 0 : index
    %get3A_236 = vector.load %arg6[%get3A_234, %get3A_235] : memref<4x25xf32, #tpu.memory_space<vmem>>, vector<1x25xf32>
    %get3A_237 = vector.shape_cast %get3A_236 : vector<1x25xf32> to vector<25xf32>
    %broadcast_in_dim3A_238 = vector.shape_cast %get3A_237 : vector<25xf32> to vector<1x25xf32>
    %add3A_239 = vector.broadcast %broadcast_in_dim3A_238 : vector<1x25xf32> to vector<8192x25xf32>
    %add3A_240 = arith.addf %add3A_233, %add3A_239 : vector<8192x25xf32>
    %max3A_241 = arith.constant 0.000000e+00 : f32
    %max3A_242 = vector.broadcast %max3A_241 : f32 to vector<8192x25xf32>
    %max3A_243 = arith.maximumf %add3A_240, %max3A_242 : vector<8192x25xf32>
    %get3A_244 = arith.constant 3 : index
    %get3A_245 = arith.constant 0 : index
    %get3A_246 = arith.constant 0 : index
    %get3A_247 = vector.load %arg7[%get3A_244, %get3A_245, %get3A_246] : memref<4x25x25xf32, #tpu.memory_space<vmem>>, vector<1x25x25xf32>
    %get3A_248 = vector.shape_cast %get3A_247 : vector<1x25x25xf32> to vector<25x25xf32>
    %dot_general3A_249 = arith.constant dense<0.000000e+00> : vector<8192x25xf32>
    %dot_general3A_250 = tpu.matmul %max3A_243, %get3A_248, %dot_general3A_249 {dimension_numbers = #tpu.dot_dimension_numbers<[1], [1], [0], [0], [0, 0, 1, 0], [], []>, transpose_lhs_hint = false} : vector<8192x25xf32>, vector<25x25xf32>, vector<8192x25xf32> -> vector<8192x25xf32>
    %get3A_251 = arith.constant 3 : index
    %get3A_252 = arith.constant 0 : index
    %get3A_253 = vector.load %arg8[%get3A_251, %get3A_252] : memref<4x25xf32, #tpu.memory_space<vmem>>, vector<1x25xf32>
    %get3A_254 = vector.shape_cast %get3A_253 : vector<1x25xf32> to vector<25xf32>
    %broadcast_in_dim3A_255 = vector.shape_cast %get3A_254 : vector<25xf32> to vector<1x25xf32>
    %add3A_256 = vector.broadcast %broadcast_in_dim3A_255 : vector<1x25xf32> to vector<8192x25xf32>
    %add3A_257 = arith.addf %dot_general3A_250, %add3A_256 : vector<8192x25xf32>
    %get3A_258 = arith.constant 3 : index
    %get3A_259 = arith.constant 0 : index
    %get3A_260 = vector.load %arg3[%get3A_258, %get3A_259] : memref<4x8192xf32, #tpu.memory_space<vmem>>, vector<1x8192xf32>
    %get3A_261 = vector.shape_cast %get3A_260 : vector<1x8192xf32> to vector<8192xf32>
    %broadcast_in_dim3A_262 = vector.shape_cast %get3A_261 : vector<8192xf32> to vector<8192x1xf32>
    %gt3A_263 = arith.constant 5.000000e-01 : f32
    %gt3A_264 = vector.broadcast %gt3A_263 : f32 to vector<8192x1xf32>
    %gt3A_265 = arith.cmpf ogt, %broadcast_in_dim3A_262, %gt3A_264 : vector<8192x1xf32>
    %jit3A_266 = arith.constant 0xFF800000 : f32
    %broadcast_in_dim3A_267 = vector.shape_cast %gt3A_265 : vector<8192x1xi1> to vector<8192x1xi1>
    %broadcast_in_dim3A_268 = vector.broadcast %broadcast_in_dim3A_267 : vector<8192x1xi1> to vector<8192x25xi1>
    %broadcast_in_dim3A_269 = vector.broadcast %jit3A_266 : f32 to vector<8192x25xf32>
    %select_n3A_270 = arith.select %broadcast_in_dim3A_268, %add3A_257, %broadcast_in_dim3A_269 : vector<8192x25xi1>, vector<8192x25xf32>
    %reshape3A_271 = vector.shape_cast %select_n3A_270 : vector<8192x25xf32> to vector<64x128x25xf32>
    %reduce_max3A_272 = arith.constant dense<0xFF800000> : vector<64x25xf32>
    %reduce_max3A_273 = vector.multi_reduction <maximumf>, %reshape3A_271, %reduce_max3A_272 [1] : vector<64x128x25xf32> to vector<64x25xf32>
    %eq3A_274 = arith.constant 0xFF800000 : f32
    %eq3A_275 = vector.broadcast %eq3A_274 : f32 to vector<64x25xf32>
    %eq3A_276 = arith.cmpf oeq, %reduce_max3A_273, %eq3A_275 : vector<64x25xf32>
    %jit3A_277 = arith.constant 0.000000e+00 : f32
    %broadcast_in_dim3A_278 = vector.broadcast %jit3A_277 : f32 to vector<64x25xf32>
    %select_n3A_279 = arith.select %eq3A_276, %broadcast_in_dim3A_278, %reduce_max3A_273 : vector<64x25xi1>, vector<64x25xf32>
    %concatenate3A = tpu.concatenate %select_n3A_60, %select_n3A_133, %select_n3A_206, %select_n3A_279 in 1 : vector<64x25xf32>, vector<64x25xf32>, vector<64x25xf32>, vector<64x25xf32> -> vector<64x100xf32>
    %get3A_280 = arith.constant 0 : index
    %get3A_281 = arith.constant 0 : index
    %get3A_282 = vector.load %arg9[%get3A_280, %get3A_281] : memref<128x100xf32, #tpu.memory_space<vmem>>, vector<128x100xf32>
    %dot_general3A_283 = arith.constant dense<0.000000e+00> : vector<64x128xf32>
    %dot_general3A_284 = tpu.matmul %concatenate3A, %get3A_282, %dot_general3A_283 {dimension_numbers = #tpu.dot_dimension_numbers<[1], [1], [0], [0], [0, 0, 1, 0], [], []>, transpose_lhs_hint = false} : vector<64x100xf32>, vector<128x100xf32>, vector<64x128xf32> -> vector<64x128xf32>
    %get3A_285 = arith.constant 0 : index
    %get3A_286 = arith.constant 0 : index
    %get3A_287 = vector.load %arg10[%get3A_285, %get3A_286] : memref<1x128xf32, #tpu.memory_space<vmem>>, vector<1x128xf32>
    %add3A_288 = vector.broadcast %get3A_287 : vector<1x128xf32> to vector<64x128xf32>
    %add3A_289 = arith.addf %dot_general3A_284, %add3A_288 : vector<64x128xf32>
    %max3A_290 = arith.constant 0.000000e+00 : f32
    %max3A_291 = vector.broadcast %max3A_290 : f32 to vector<64x128xf32>
    %max3A_292 = arith.maximumf %add3A_289, %max3A_291 : vector<64x128xf32>
    %get3A_293 = arith.constant 0 : index
    %get3A_294 = arith.constant 0 : index
    %get3A_295 = vector.load %arg11[%get3A_293, %get3A_294] : memref<128x128xf32, #tpu.memory_space<vmem>>, vector<128x128xf32>
    %dot_general3A_296 = arith.constant dense<0.000000e+00> : vector<64x128xf32>
    %dot_general3A_297 = tpu.matmul %max3A_292, %get3A_295, %dot_general3A_296 {dimension_numbers = #tpu.dot_dimension_numbers<[1], [1], [0], [0], [0, 0, 1, 0], [], []>, transpose_lhs_hint = false} : vector<64x128xf32>, vector<128x128xf32>, vector<64x128xf32> -> vector<64x128xf32>
    %get3A_298 = arith.constant 0 : index
    %get3A_299 = arith.constant 0 : index
    %get3A_300 = vector.load %arg12[%get3A_298, %get3A_299] : memref<1x128xf32, #tpu.memory_space<vmem>>, vector<1x128xf32>
    %add3A_301 = vector.broadcast %get3A_300 : vector<1x128xf32> to vector<64x128xf32>
    %add3A_302 = arith.addf %dot_general3A_297, %add3A_301 : vector<64x128xf32>
    %get3A_303 = arith.constant 0 : index
    %get3A_304 = arith.constant 0 : index
    %get3A_305 = vector.load %arg13[%get3A_303, %get3A_304] : memref<128x256xf32, #tpu.memory_space<vmem>>, vector<128x256xf32>
    %dot_general3A_306 = arith.constant dense<0.000000e+00> : vector<128x128xf32>
    %dot_general3A_307 = tpu.matmul %get3A_305, %get3A_305, %dot_general3A_306 {dimension_numbers = #tpu.dot_dimension_numbers<[1], [1], [0], [0], [0, 0, 1, 0], [], []>, precision = #tpu.contract_precision<fp32>, transpose_lhs_hint = false} : vector<128x256xf32>, vector<128x256xf32>, vector<128x128xf32> -> vector<128x128xf32>
    %mul3A_308 = arith.mulf %dot_general3A_307, %dot_general3A_307 : vector<128x128xf32>
    %reduce_sum3A = vector.shape_cast %mul3A_308 : vector<128x128xf32> to vector<1x128x128xf32>
    %reduce_sum3A_309 = arith.constant dense<0.000000e+00> : vector<1xf32>
    %reduce_sum3A_310 = vector.multi_reduction <add>, %reduce_sum3A, %reduce_sum3A_309 [1, 2] : vector<1x128x128xf32> to vector<1xf32>
    %reduce_sum3A_311 = vector.shape_cast %reduce_sum3A_310 : vector<1xf32> to vector<1x1x1xf32>
    %reduce_sum3A_312 = vector.extract %reduce_sum3A_311[0, 0, 0] : f32 from vector<1x1x1xf32>
    %rsqrt3A = math.rsqrt %reduce_sum3A_312 : f32
    %mul3A_313 = vector.broadcast %rsqrt3A : f32 to vector<128x128xf32>
    %mul3A_314 = arith.mulf %dot_general3A_307, %mul3A_313 : vector<128x128xf32>
    %dot_general3A_315 = arith.constant dense<0.000000e+00> : vector<128x128xf32>
    %dot_general3A_316 = tpu.matmul %mul3A_314, %mul3A_314, %dot_general3A_315 {dimension_numbers = #tpu.dot_dimension_numbers<[1], [0], [0], [1], [0, 0, 1, 1], [], []>, precision = #tpu.contract_precision<fp32>, transpose_lhs_hint = false} : vector<128x128xf32>, vector<128x128xf32>, vector<128x128xf32> -> vector<128x128xf32>
    %mul3A_317 = arith.mulf %dot_general3A_316, %dot_general3A_316 : vector<128x128xf32>
    %reduce_sum3A_318 = vector.shape_cast %mul3A_317 : vector<128x128xf32> to vector<1x128x128xf32>
    %reduce_sum3A_319 = arith.constant dense<0.000000e+00> : vector<1xf32>
    %reduce_sum3A_320 = vector.multi_reduction <add>, %reduce_sum3A_318, %reduce_sum3A_319 [1, 2] : vector<1x128x128xf32> to vector<1xf32>
    %reduce_sum3A_321 = vector.shape_cast %reduce_sum3A_320 : vector<1xf32> to vector<1x1x1xf32>
    %reduce_sum3A_322 = vector.extract %reduce_sum3A_321[0, 0, 0] : f32 from vector<1x1x1xf32>
    %rsqrt3A_323 = math.rsqrt %reduce_sum3A_322 : f32
    %mul3A_324 = vector.broadcast %rsqrt3A_323 : f32 to vector<128x128xf32>
    %mul3A_325 = arith.mulf %dot_general3A_316, %mul3A_324 : vector<128x128xf32>
    %dot_general3A_326 = arith.constant dense<0.000000e+00> : vector<128x128xf32>
    %dot_general3A_327 = tpu.matmul %mul3A_325, %mul3A_325, %dot_general3A_326 {dimension_numbers = #tpu.dot_dimension_numbers<[1], [0], [0], [1], [0, 0, 1, 1], [], []>, precision = #tpu.contract_precision<fp32>, transpose_lhs_hint = false} : vector<128x128xf32>, vector<128x128xf32>, vector<128x128xf32> -> vector<128x128xf32>
    %mul3A_328 = arith.mulf %dot_general3A_327, %dot_general3A_327 : vector<128x128xf32>
    %reduce_sum3A_329 = vector.shape_cast %mul3A_328 : vector<128x128xf32> to vector<1x128x128xf32>
    %reduce_sum3A_330 = arith.constant dense<0.000000e+00> : vector<1xf32>
    %reduce_sum3A_331 = vector.multi_reduction <add>, %reduce_sum3A_329, %reduce_sum3A_330 [1, 2] : vector<1x128x128xf32> to vector<1xf32>
    %reduce_sum3A_332 = vector.shape_cast %reduce_sum3A_331 : vector<1xf32> to vector<1x1x1xf32>
    %reduce_sum3A_333 = vector.extract %reduce_sum3A_332[0, 0, 0] : f32 from vector<1x1x1xf32>
    %rsqrt3A_334 = math.rsqrt %reduce_sum3A_333 : f32
    %mul3A_335 = vector.broadcast %rsqrt3A_334 : f32 to vector<128x128xf32>
    %mul3A_336 = arith.mulf %dot_general3A_327, %mul3A_335 : vector<128x128xf32>
    %dot_general3A_337 = arith.constant dense<0.000000e+00> : vector<128x128xf32>
    %dot_general3A_338 = tpu.matmul %mul3A_336, %mul3A_336, %dot_general3A_337 {dimension_numbers = #tpu.dot_dimension_numbers<[1], [0], [0], [1], [0, 0, 1, 1], [], []>, precision = #tpu.contract_precision<fp32>, transpose_lhs_hint = false} : vector<128x128xf32>, vector<128x128xf32>, vector<128x128xf32> -> vector<128x128xf32>
    %mul3A_339 = arith.mulf %dot_general3A_338, %dot_general3A_338 : vector<128x128xf32>
    %reduce_sum3A_340 = vector.shape_cast %mul3A_339 : vector<128x128xf32> to vector<1x128x128xf32>
    %reduce_sum3A_341 = arith.constant dense<0.000000e+00> : vector<1xf32>
    %reduce_sum3A_342 = vector.multi_reduction <add>, %reduce_sum3A_340, %reduce_sum3A_341 [1, 2] : vector<1x128x128xf32> to vector<1xf32>
    %reduce_sum3A_343 = vector.shape_cast %reduce_sum3A_342 : vector<1xf32> to vector<1x1x1xf32>
    %reduce_sum3A_344 = vector.extract %reduce_sum3A_343[0, 0, 0] : f32 from vector<1x1x1xf32>
    %rsqrt3A_345 = math.rsqrt %reduce_sum3A_344 : f32
    %mul3A_346 = vector.broadcast %rsqrt3A_345 : f32 to vector<128x128xf32>
    %mul3A_347 = arith.mulf %dot_general3A_338, %mul3A_346 : vector<128x128xf32>
    %dot_general3A_348 = arith.constant dense<0.000000e+00> : vector<128x128xf32>
    %dot_general3A_349 = tpu.matmul %mul3A_347, %mul3A_347, %dot_general3A_348 {dimension_numbers = #tpu.dot_dimension_numbers<[1], [0], [0], [1], [0, 0, 1, 1], [], []>, precision = #tpu.contract_precision<fp32>, transpose_lhs_hint = false} : vector<128x128xf32>, vector<128x128xf32>, vector<128x128xf32> -> vector<128x128xf32>
    %mul3A_350 = arith.mulf %dot_general3A_349, %dot_general3A_349 : vector<128x128xf32>
    %reduce_sum3A_351 = vector.shape_cast %mul3A_350 : vector<128x128xf32> to vector<1x128x128xf32>
    %reduce_sum3A_352 = arith.constant dense<0.000000e+00> : vector<1xf32>
    %reduce_sum3A_353 = vector.multi_reduction <add>, %reduce_sum3A_351, %reduce_sum3A_352 [1, 2] : vector<1x128x128xf32> to vector<1xf32>
    %reduce_sum3A_354 = vector.shape_cast %reduce_sum3A_353 : vector<1xf32> to vector<1x1x1xf32>
    %reduce_sum3A_355 = vector.extract %reduce_sum3A_354[0, 0, 0] : f32 from vector<1x1x1xf32>
    %rsqrt3A_356 = math.rsqrt %reduce_sum3A_355 : f32
    %mul3A_357 = vector.broadcast %rsqrt3A_356 : f32 to vector<128x128xf32>
    %mul3A_358 = arith.mulf %dot_general3A_349, %mul3A_357 : vector<128x128xf32>
    %dot_general3A_359 = arith.constant dense<0.000000e+00> : vector<128x128xf32>
    %dot_general3A_360 = tpu.matmul %mul3A_358, %mul3A_358, %dot_general3A_359 {dimension_numbers = #tpu.dot_dimension_numbers<[1], [0], [0], [1], [0, 0, 1, 1], [], []>, precision = #tpu.contract_precision<fp32>, transpose_lhs_hint = false} : vector<128x128xf32>, vector<128x128xf32>, vector<128x128xf32> -> vector<128x128xf32>
    %mul3A_361 = arith.mulf %dot_general3A_360, %dot_general3A_360 : vector<128x128xf32>
    %reduce_sum3A_362 = vector.shape_cast %mul3A_361 : vector<128x128xf32> to vector<1x128x128xf32>
    %reduce_sum3A_363 = arith.constant dense<0.000000e+00> : vector<1xf32>
    %reduce_sum3A_364 = vector.multi_reduction <add>, %reduce_sum3A_362, %reduce_sum3A_363 [1, 2] : vector<1x128x128xf32> to vector<1xf32>
    %reduce_sum3A_365 = vector.shape_cast %reduce_sum3A_364 : vector<1xf32> to vector<1x1x1xf32>
    %reduce_sum3A_366 = vector.extract %reduce_sum3A_365[0, 0, 0] : f32 from vector<1x1x1xf32>
    %rsqrt3A_367 = math.rsqrt %reduce_sum3A_366 : f32
    %mul3A_368 = vector.broadcast %rsqrt3A_367 : f32 to vector<128x128xf32>
    %mul3A_369 = arith.mulf %dot_general3A_360, %mul3A_368 : vector<128x128xf32>
    %dot_general3A_370 = arith.constant dense<0.000000e+00> : vector<128x128xf32>
    %dot_general3A_371 = tpu.matmul %mul3A_369, %mul3A_369, %dot_general3A_370 {dimension_numbers = #tpu.dot_dimension_numbers<[1], [0], [0], [1], [0, 0, 1, 1], [], []>, precision = #tpu.contract_precision<fp32>, transpose_lhs_hint = false} : vector<128x128xf32>, vector<128x128xf32>, vector<128x128xf32> -> vector<128x128xf32>
    %mul3A_372 = arith.mulf %dot_general3A_371, %dot_general3A_371 : vector<128x128xf32>
    %reduce_sum3A_373 = vector.shape_cast %mul3A_372 : vector<128x128xf32> to vector<1x128x128xf32>
    %reduce_sum3A_374 = arith.constant dense<0.000000e+00> : vector<1xf32>
    %reduce_sum3A_375 = vector.multi_reduction <add>, %reduce_sum3A_373, %reduce_sum3A_374 [1, 2] : vector<1x128x128xf32> to vector<1xf32>
    %reduce_sum3A_376 = vector.shape_cast %reduce_sum3A_375 : vector<1xf32> to vector<1x1x1xf32>
    %reduce_sum3A_377 = vector.extract %reduce_sum3A_376[0, 0, 0] : f32 from vector<1x1x1xf32>
    %rsqrt3A_378 = math.rsqrt %reduce_sum3A_377 : f32
    %mul3A_379 = vector.broadcast %rsqrt3A_378 : f32 to vector<128x128xf32>
    %mul3A_380 = arith.mulf %dot_general3A_371, %mul3A_379 : vector<128x128xf32>
    %dot_general3A_381 = arith.constant dense<0.000000e+00> : vector<128x128xf32>
    %dot_general3A_382 = tpu.matmul %mul3A_380, %mul3A_380, %dot_general3A_381 {dimension_numbers = #tpu.dot_dimension_numbers<[1], [0], [0], [1], [0, 0, 1, 1], [], []>, precision = #tpu.contract_precision<fp32>, transpose_lhs_hint = false} : vector<128x128xf32>, vector<128x128xf32>, vector<128x128xf32> -> vector<128x128xf32>
    %mul3A_383 = arith.mulf %dot_general3A_382, %dot_general3A_382 : vector<128x128xf32>
    %reduce_sum3A_384 = vector.shape_cast %mul3A_383 : vector<128x128xf32> to vector<1x128x128xf32>
    %reduce_sum3A_385 = arith.constant dense<0.000000e+00> : vector<1xf32>
    %reduce_sum3A_386 = vector.multi_reduction <add>, %reduce_sum3A_384, %reduce_sum3A_385 [1, 2] : vector<1x128x128xf32> to vector<1xf32>
    %reduce_sum3A_387 = vector.shape_cast %reduce_sum3A_386 : vector<1xf32> to vector<1x1x1xf32>
    %reduce_sum3A_388 = vector.extract %reduce_sum3A_387[0, 0, 0] : f32 from vector<1x1x1xf32>
    %rsqrt3A_389 = math.rsqrt %reduce_sum3A_388 : f32
    %mul3A_390 = vector.broadcast %rsqrt3A_389 : f32 to vector<128x128xf32>
    %mul3A_391 = arith.mulf %dot_general3A_382, %mul3A_390 : vector<128x128xf32>
    %dot_general3A_392 = arith.constant dense<0.000000e+00> : vector<128x128xf32>
    %dot_general3A_393 = tpu.matmul %mul3A_391, %mul3A_391, %dot_general3A_392 {dimension_numbers = #tpu.dot_dimension_numbers<[1], [0], [0], [1], [0, 0, 1, 1], [], []>, precision = #tpu.contract_precision<fp32>, transpose_lhs_hint = false} : vector<128x128xf32>, vector<128x128xf32>, vector<128x128xf32> -> vector<128x128xf32>
    %mul3A_394 = arith.mulf %dot_general3A_393, %dot_general3A_393 : vector<128x128xf32>
    %reduce_sum3A_395 = vector.shape_cast %mul3A_394 : vector<128x128xf32> to vector<1x128x128xf32>
    %reduce_sum3A_396 = arith.constant dense<0.000000e+00> : vector<1xf32>
    %reduce_sum3A_397 = vector.multi_reduction <add>, %reduce_sum3A_395, %reduce_sum3A_396 [1, 2] : vector<1x128x128xf32> to vector<1xf32>
    %reduce_sum3A_398 = vector.shape_cast %reduce_sum3A_397 : vector<1xf32> to vector<1x1x1xf32>
    %reduce_sum3A_399 = vector.extract %reduce_sum3A_398[0, 0, 0] : f32 from vector<1x1x1xf32>
    %rsqrt3A_400 = math.rsqrt %reduce_sum3A_399 : f32
    %mul3A_401 = vector.broadcast %rsqrt3A_400 : f32 to vector<128x128xf32>
    %mul3A_402 = arith.mulf %dot_general3A_393, %mul3A_401 : vector<128x128xf32>
    %dot_general3A_403 = arith.constant dense<0.000000e+00> : vector<128x128xf32>
    %dot_general3A_404 = tpu.matmul %mul3A_402, %mul3A_402, %dot_general3A_403 {dimension_numbers = #tpu.dot_dimension_numbers<[1], [0], [0], [1], [0, 0, 1, 1], [], []>, precision = #tpu.contract_precision<fp32>, transpose_lhs_hint = false} : vector<128x128xf32>, vector<128x128xf32>, vector<128x128xf32> -> vector<128x128xf32>
    %mul3A_405 = arith.mulf %dot_general3A_404, %dot_general3A_404 : vector<128x128xf32>
    %reduce_sum3A_406 = vector.shape_cast %mul3A_405 : vector<128x128xf32> to vector<1x128x128xf32>
    %reduce_sum3A_407 = arith.constant dense<0.000000e+00> : vector<1xf32>
    %reduce_sum3A_408 = vector.multi_reduction <add>, %reduce_sum3A_406, %reduce_sum3A_407 [1, 2] : vector<1x128x128xf32> to vector<1xf32>
    %reduce_sum3A_409 = vector.shape_cast %reduce_sum3A_408 : vector<1xf32> to vector<1x1x1xf32>
    %reduce_sum3A_410 = vector.extract %reduce_sum3A_409[0, 0, 0] : f32 from vector<1x1x1xf32>
    %rsqrt3A_411 = math.rsqrt %reduce_sum3A_410 : f32
    %mul3A_412 = vector.broadcast %rsqrt3A_411 : f32 to vector<128x128xf32>
    %mul3A_413 = arith.mulf %dot_general3A_404, %mul3A_412 : vector<128x128xf32>
    %dot_general3A_414 = arith.constant dense<0.000000e+00> : vector<128x128xf32>
    %dot_general3A_415 = tpu.matmul %mul3A_413, %mul3A_413, %dot_general3A_414 {dimension_numbers = #tpu.dot_dimension_numbers<[1], [0], [0], [1], [0, 0, 1, 1], [], []>, precision = #tpu.contract_precision<fp32>, transpose_lhs_hint = false} : vector<128x128xf32>, vector<128x128xf32>, vector<128x128xf32> -> vector<128x128xf32>
    %mul3A_416 = arith.mulf %dot_general3A_415, %dot_general3A_415 : vector<128x128xf32>
    %reduce_sum3A_417 = vector.shape_cast %mul3A_416 : vector<128x128xf32> to vector<1x128x128xf32>
    %reduce_sum3A_418 = arith.constant dense<0.000000e+00> : vector<1xf32>
    %reduce_sum3A_419 = vector.multi_reduction <add>, %reduce_sum3A_417, %reduce_sum3A_418 [1, 2] : vector<1x128x128xf32> to vector<1xf32>
    %reduce_sum3A_420 = vector.shape_cast %reduce_sum3A_419 : vector<1xf32> to vector<1x1x1xf32>
    %reduce_sum3A_421 = vector.extract %reduce_sum3A_420[0, 0, 0] : f32 from vector<1x1x1xf32>
    %rsqrt3A_422 = math.rsqrt %reduce_sum3A_421 : f32
    %mul3A_423 = vector.broadcast %rsqrt3A_422 : f32 to vector<128x128xf32>
    %mul3A_424 = arith.mulf %dot_general3A_415, %mul3A_423 : vector<128x128xf32>
    %dot_general3A_425 = arith.constant dense<0.000000e+00> : vector<128x128xf32>
    %dot_general3A_426 = tpu.matmul %mul3A_424, %mul3A_424, %dot_general3A_425 {dimension_numbers = #tpu.dot_dimension_numbers<[1], [0], [0], [1], [0, 0, 1, 1], [], []>, precision = #tpu.contract_precision<fp32>, transpose_lhs_hint = false} : vector<128x128xf32>, vector<128x128xf32>, vector<128x128xf32> -> vector<128x128xf32>
    %mul3A_427 = arith.mulf %dot_general3A_426, %dot_general3A_426 : vector<128x128xf32>
    %reduce_sum3A_428 = vector.shape_cast %mul3A_427 : vector<128x128xf32> to vector<1x128x128xf32>
    %reduce_sum3A_429 = arith.constant dense<0.000000e+00> : vector<1xf32>
    %reduce_sum3A_430 = vector.multi_reduction <add>, %reduce_sum3A_428, %reduce_sum3A_429 [1, 2] : vector<1x128x128xf32> to vector<1xf32>
    %reduce_sum3A_431 = vector.shape_cast %reduce_sum3A_430 : vector<1xf32> to vector<1x1x1xf32>
    %reduce_sum3A_432 = vector.extract %reduce_sum3A_431[0, 0, 0] : f32 from vector<1x1x1xf32>
    %rsqrt3A_433 = math.rsqrt %reduce_sum3A_432 : f32
    %mul3A_434 = vector.broadcast %rsqrt3A_433 : f32 to vector<128x128xf32>
    %mul3A_435 = arith.mulf %dot_general3A_426, %mul3A_434 : vector<128x128xf32>
    %dot_general3A_436 = arith.constant dense<0.000000e+00> : vector<128x128xf32>
    %dot_general3A_437 = tpu.matmul %mul3A_435, %mul3A_435, %dot_general3A_436 {dimension_numbers = #tpu.dot_dimension_numbers<[1], [0], [0], [1], [0, 0, 1, 1], [], []>, precision = #tpu.contract_precision<fp32>, transpose_lhs_hint = false} : vector<128x128xf32>, vector<128x128xf32>, vector<128x128xf32> -> vector<128x128xf32>
    %mul3A_438 = arith.mulf %dot_general3A_437, %dot_general3A_437 : vector<128x128xf32>
    %reduce_sum3A_439 = vector.shape_cast %mul3A_438 : vector<128x128xf32> to vector<1x128x128xf32>
    %reduce_sum3A_440 = arith.constant dense<0.000000e+00> : vector<1xf32>
    %reduce_sum3A_441 = vector.multi_reduction <add>, %reduce_sum3A_439, %reduce_sum3A_440 [1, 2] : vector<1x128x128xf32> to vector<1xf32>
    %reduce_sum3A_442 = vector.shape_cast %reduce_sum3A_441 : vector<1xf32> to vector<1x1x1xf32>
    %reduce_sum3A_443 = vector.extract %reduce_sum3A_442[0, 0, 0] : f32 from vector<1x1x1xf32>
    %rsqrt3A_444 = math.rsqrt %reduce_sum3A_443 : f32
    %mul3A_445 = vector.broadcast %rsqrt3A_444 : f32 to vector<128x128xf32>
    %mul3A_446 = arith.mulf %dot_general3A_437, %mul3A_445 : vector<128x128xf32>
    %dot_general3A_447 = arith.constant dense<0.000000e+00> : vector<128x128xf32>
    %dot_general3A_448 = tpu.matmul %mul3A_446, %dot_general3A_307, %dot_general3A_447 {dimension_numbers = #tpu.dot_dimension_numbers<[1], [0], [0], [1], [0, 0, 1, 1], [], []>, precision = #tpu.contract_precision<fp32>, transpose_lhs_hint = false} : vector<128x128xf32>, vector<128x128xf32>, vector<128x128xf32> -> vector<128x128xf32>
    %mul3A_449 = arith.mulf %dot_general3A_448, %mul3A_446 : vector<128x128xf32>
    %reduce_sum3A_450 = vector.shape_cast %mul3A_449 : vector<128x128xf32> to vector<1x128x128xf32>
    %reduce_sum3A_451 = arith.constant dense<0.000000e+00> : vector<1xf32>
    %reduce_sum3A_452 = vector.multi_reduction <add>, %reduce_sum3A_450, %reduce_sum3A_451 [1, 2] : vector<1x128x128xf32> to vector<1xf32>
    %reduce_sum3A_453 = vector.shape_cast %reduce_sum3A_452 : vector<1xf32> to vector<1x1x1xf32>
    %reduce_sum3A_454 = vector.extract %reduce_sum3A_453[0, 0, 0] : f32 from vector<1x1x1xf32>
    %mul3A_455 = arith.mulf %mul3A_446, %mul3A_446 : vector<128x128xf32>
    %reduce_sum3A_456 = vector.shape_cast %mul3A_455 : vector<128x128xf32> to vector<1x128x128xf32>
    %reduce_sum3A_457 = arith.constant dense<0.000000e+00> : vector<1xf32>
    %reduce_sum3A_458 = vector.multi_reduction <add>, %reduce_sum3A_456, %reduce_sum3A_457 [1, 2] : vector<1x128x128xf32> to vector<1xf32>
    %reduce_sum3A_459 = vector.shape_cast %reduce_sum3A_458 : vector<1xf32> to vector<1x1x1xf32>
    %reduce_sum3A_460 = vector.extract %reduce_sum3A_459[0, 0, 0] : f32 from vector<1x1x1xf32>
    %div3A = arith.divf %reduce_sum3A_454, %reduce_sum3A_460 : f32
    %sqrt3A = math.sqrt %div3A : f32
    %get3A_461 = arith.constant 0 : index
    %get3A_462 = arith.constant 0 : index
    %get3A_463 = vector.load %arg15[%get3A_461, %get3A_462] : memref<2x128xf32, #tpu.memory_space<vmem>>, vector<1x128xf32>
    %get3A_464 = vector.shape_cast %get3A_463 : vector<1x128xf32> to vector<128xf32>
    %get3A_465 = arith.constant 1 : index
    %get3A_466 = arith.constant 0 : index
    %get3A_467 = vector.load %arg15[%get3A_465, %get3A_466] : memref<2x128xf32, #tpu.memory_space<vmem>>, vector<1x128xf32>
    %get3A_468 = vector.shape_cast %get3A_467 : vector<1x128xf32> to vector<128xf32>
    %mul3A_469 = arith.mulf %get3A_464, %get3A_464 : vector<128xf32>
    %reduce_sum3A_470 = vector.shape_cast %mul3A_469 : vector<128xf32> to vector<1x128xf32>
    %reduce_sum3A_471 = arith.constant dense<0.000000e+00> : vector<1xf32>
    %reduce_sum3A_472 = vector.multi_reduction <add>, %reduce_sum3A_470, %reduce_sum3A_471 [1] : vector<1x128xf32> to vector<1xf32>
    %reduce_sum3A_473 = vector.shape_cast %reduce_sum3A_472 : vector<1xf32> to vector<1x1xf32>
    %reduce_sum3A_474 = vector.extract %reduce_sum3A_473[0, 0] : f32 from vector<1x1xf32>
    %mul3A_475 = arith.mulf %get3A_464, %get3A_468 : vector<128xf32>
    %reduce_sum3A_476 = vector.shape_cast %mul3A_475 : vector<128xf32> to vector<1x128xf32>
    %reduce_sum3A_477 = arith.constant dense<0.000000e+00> : vector<1xf32>
    %reduce_sum3A_478 = vector.multi_reduction <add>, %reduce_sum3A_476, %reduce_sum3A_477 [1] : vector<1x128xf32> to vector<1xf32>
    %reduce_sum3A_479 = vector.shape_cast %reduce_sum3A_478 : vector<1xf32> to vector<1x1xf32>
    %reduce_sum3A_480 = vector.extract %reduce_sum3A_479[0, 0] : f32 from vector<1x1xf32>
    %mul3A_481 = arith.mulf %get3A_468, %get3A_468 : vector<128xf32>
    %reduce_sum3A_482 = vector.shape_cast %mul3A_481 : vector<128xf32> to vector<1x128xf32>
    %reduce_sum3A_483 = arith.constant dense<0.000000e+00> : vector<1xf32>
    %reduce_sum3A_484 = vector.multi_reduction <add>, %reduce_sum3A_482, %reduce_sum3A_483 [1] : vector<1x128xf32> to vector<1xf32>
    %reduce_sum3A_485 = vector.shape_cast %reduce_sum3A_484 : vector<1xf32> to vector<1x1xf32>
    %reduce_sum3A_486 = vector.extract %reduce_sum3A_485[0, 0] : f32 from vector<1x1xf32>
    %add3A_487 = arith.addf %reduce_sum3A_474, %reduce_sum3A_486 : f32
    %mul3A_488 = arith.constant 5.000000e-01 : f32
    %mul3A_489 = arith.mulf %mul3A_488, %add3A_487 : f32
    %sub3A = arith.subf %reduce_sum3A_474, %reduce_sum3A_486 : f32
    %integer_pow3A = arith.mulf %sub3A, %sub3A : f32
    %mul3A_490 = arith.constant 2.500000e-01 : f32
    %mul3A_491 = arith.mulf %mul3A_490, %integer_pow3A : f32
    %mul3A_492 = arith.mulf %reduce_sum3A_480, %reduce_sum3A_480 : f32
    %add3A_493 = arith.addf %mul3A_491, %mul3A_492 : f32
    %sqrt3A_494 = math.sqrt %add3A_493 : f32
    %add3A_495 = arith.addf %mul3A_489, %sqrt3A_494 : f32
    %sqrt3A_496 = math.sqrt %add3A_495 : f32
    %get3A_497 = arith.constant 0 : index
    %get3A_498 = arith.constant 0 : index
    %get3A_499 = vector.load %arg0[%get3A_497, %get3A_498] : memref<64x128xf32, #tpu.memory_space<vmem>>, vector<64x128xf32>
    %concatenate3A_500 = tpu.concatenate %get3A_499, %add3A_302 in 1 : vector<64x128xf32>, vector<64x128xf32> -> vector<64x256xf32>
    %get3A_501 = arith.constant 0 : index
    %get3A_502 = arith.constant 0 : index
    %get3A_503 = vector.load %arg13[%get3A_501, %get3A_502] : memref<128x256xf32, #tpu.memory_space<vmem>>, vector<128x256xf32>
    %div3A_504 = vector.broadcast %sqrt3A : f32 to vector<128x256xf32>
    %div3A_505 = arith.divf %get3A_503, %div3A_504 : vector<128x256xf32>
    %dot_general3A_506 = arith.constant dense<0.000000e+00> : vector<64x128xf32>
    %dot_general3A_507 = tpu.matmul %concatenate3A_500, %div3A_505, %dot_general3A_506 {dimension_numbers = #tpu.dot_dimension_numbers<[1], [1], [0], [0], [0, 0, 1, 0], [], []>, transpose_lhs_hint = false} : vector<64x256xf32>, vector<128x256xf32>, vector<64x128xf32> -> vector<64x128xf32>
    %get3A_508 = arith.constant 0 : index
    %get3A_509 = arith.constant 0 : index
    %get3A_510 = vector.load %arg14[%get3A_508, %get3A_509] : memref<1x128xf32, #tpu.memory_space<vmem>>, vector<1x128xf32>
    %add3A_511 = vector.broadcast %get3A_510 : vector<1x128xf32> to vector<64x128xf32>
    %add3A_512 = arith.addf %dot_general3A_507, %add3A_511 : vector<64x128xf32>
    %gt3A_513 = arith.constant 0.000000e+00 : f32
    %gt3A_514 = vector.broadcast %gt3A_513 : f32 to vector<64x128xf32>
    %gt3A_515 = arith.cmpf ogt, %add3A_512, %gt3A_514 : vector<64x128xf32>
    %exp3A = math.exp %add3A_512 : vector<64x128xf32>
    %sub3A_516 = arith.constant 1.000000e+00 : f32
    %sub3A_517 = vector.broadcast %sub3A_516 : f32 to vector<64x128xf32>
    %sub3A_518 = arith.subf %exp3A, %sub3A_517 : vector<64x128xf32>
    %select_n3A_519 = arith.select %gt3A_515, %add3A_512, %sub3A_518 : vector<64x128xi1>, vector<64x128xf32>
    %get3A_520 = arith.constant 0 : index
    %get3A_521 = arith.constant 0 : index
    %get3A_522 = vector.load %arg15[%get3A_520, %get3A_521] : memref<2x128xf32, #tpu.memory_space<vmem>>, vector<2x128xf32>
    %div3A_523 = vector.broadcast %sqrt3A_496 : f32 to vector<2x128xf32>
    %div3A_524 = arith.divf %get3A_522, %div3A_523 : vector<2x128xf32>
    %dot_general3A_525 = arith.constant dense<0.000000e+00> : vector<64x2xf32>
    %dot_general3A_526 = tpu.matmul %select_n3A_519, %div3A_524, %dot_general3A_525 {dimension_numbers = #tpu.dot_dimension_numbers<[1], [1], [0], [0], [0, 0, 1, 0], [], []>, transpose_lhs_hint = false} : vector<64x128xf32>, vector<2x128xf32>, vector<64x2xf32> -> vector<64x2xf32>
    %get3A_527 = arith.constant 0 : index
    %get3A_528 = arith.constant 0 : index
    %get3A_529 = vector.load %arg16[%get3A_527, %get3A_528] : memref<1x2xf32, #tpu.memory_space<vmem>>, vector<1x2xf32>
    %add3A_530 = vector.broadcast %get3A_529 : vector<1x2xf32> to vector<64x2xf32>
    %add3A_531 = arith.addf %dot_general3A_526, %add3A_530 : vector<64x2xf32>
    %swap3A = arith.constant 0 : index
    %swap3A_532 = arith.constant 0 : index
    %swap3A_533 = vector.load %arg17[%swap3A, %swap3A_532] : memref<64x2xf32, #tpu.memory_space<vmem>>, vector<64x2xf32>
    tpu.vector_store %arg17[%swap3A, %swap3A_532], %add3A_531 {strides = array<i32>} : memref<64x2xf32, #tpu.memory_space<vmem>>, vector<64x2xf32>,
    return
  }
}

module attributes {stable_mosaic.version = 14 : i64} {
  func.func @_mlp2_body(%arg0: i32, %arg1: memref<1000x128xf32, #tpu.memory_space<vmem>>, %arg2: memref<2x1000x128xf32, #tpu.memory_space<vmem>>, %arg3: memref<128x128xf32, #tpu.memory_space<vmem>>, %arg4: memref<1x128xf32, #tpu.memory_space<vmem>>, %arg5: memref<1x128xf32, #tpu.memory_space<vmem>>, %arg6: memref<1x128xf32, #tpu.memory_space<vmem>>, %arg7: memref<1x1x1000xi32, #tpu.memory_space<vmem>>, %arg8: memref<64x128xf32, #tpu.memory_space<vmem>>) attributes {dimension_semantics = [#tpu.dimension_semantics<arbitrary>], iteration_bounds = array<i64: 10>, scalar_prefetch = 0 : i64, scratch_operands = 0 : i64, tpu.core_type = #tpu.core_type<tc>, window_params = [{transform_indices = @transform_0, window_bounds = array<i64: 1000, 128>}, {transform_indices = @transform_1, window_bounds = array<i64: 2, 1000, 128>}, {pipeline_mode = #tpu.pipeline_mode<synchronous>, transform_indices = @transform_2, window_bounds = array<i64: 128, 128>}, {pipeline_mode = #tpu.pipeline_mode<synchronous>, transform_indices = @transform_3, window_bounds = array<i64: 1, 128>}, {pipeline_mode = #tpu.pipeline_mode<synchronous>, transform_indices = @transform_4, window_bounds = array<i64: 1, 128>}, {pipeline_mode = #tpu.pipeline_mode<synchronous>, transform_indices = @transform_5, window_bounds = array<i64: 1, 128>}, {transform_indices = @transform_6, window_bounds = array<i64: 1, 1, 1000>}, {pipeline_mode = #tpu.pipeline_mode<synchronous>, transform_indices = @transform_7, window_bounds = array<i64: 64, 128>}]} {
    %get3A = arith.constant 0 : index
    %get3A_0 = arith.constant 0 : index
    %get3A_1 = vector.load %arg1[%get3A, %get3A_0] : memref<1000x128xf32, #tpu.memory_space<vmem>>, vector<1000x128xf32>
    %get3A_2 = arith.constant 0 : index
    %get3A_3 = arith.constant 0 : index
    %get3A_4 = arith.constant 0 : index
    %get3A_5 = vector.load %arg2[%get3A_2, %get3A_3, %get3A_4] : memref<2x1000x128xf32, #tpu.memory_space<vmem>>, vector<1x1000x128xf32>
    %get3A_6 = vector.shape_cast %get3A_5 : vector<1x1000x128xf32> to vector<1000x128xf32>
    %add3A = arith.addf %get3A_1, %get3A_6 : vector<1000x128xf32>
    %get3A_7 = arith.constant 1 : index
    %get3A_8 = arith.constant 0 : index
    %get3A_9 = arith.constant 0 : index
    %get3A_10 = vector.load %arg2[%get3A_7, %get3A_8, %get3A_9] : memref<2x1000x128xf32, #tpu.memory_space<vmem>>, vector<1x1000x128xf32>
    %get3A_11 = vector.shape_cast %get3A_10 : vector<1x1000x128xf32> to vector<1000x128xf32>
    %add3A_12 = arith.addf %add3A, %get3A_11 : vector<1000x128xf32>
    %get3A_13 = arith.constant 0 : index
    %get3A_14 = arith.constant 0 : index
    %get3A_15 = vector.load %arg3[%get3A_13, %get3A_14] : memref<128x128xf32, #tpu.memory_space<vmem>>, vector<128x128xf32>
    %dot_general3A = arith.constant dense<0.000000e+00> : vector<1000x128xf32>
    %dot_general3A_16 = tpu.matmul %add3A_12, %get3A_15, %dot_general3A {dimension_numbers = #tpu.dot_dimension_numbers<[1], [1], [0], [0], [0, 0, 1, 0], [], []>, transpose_lhs_hint = false} : vector<1000x128xf32>, vector<128x128xf32>, vector<1000x128xf32> -> vector<1000x128xf32>
    %get3A_17 = arith.constant 0 : index
    %get3A_18 = arith.constant 0 : index
    %get3A_19 = vector.load %arg5[%get3A_17, %get3A_18] : memref<1x128xf32, #tpu.memory_space<vmem>>, vector<1x128xf32>
    %sqrt3A = arith.constant 1.000010e+00 : f32
    %sqrt3A_20 = math.sqrt %sqrt3A : f32
    %div3A = vector.broadcast %sqrt3A_20 : f32 to vector<1x128xf32>
    %div3A_21 = arith.divf %get3A_19, %div3A : vector<1x128xf32>
    %get3A_22 = arith.constant 0 : index
    %get3A_23 = arith.constant 0 : index
    %get3A_24 = vector.load %arg4[%get3A_22, %get3A_23] : memref<1x128xf32, #tpu.memory_space<vmem>>, vector<1x128xf32>
    %add3A_25 = vector.broadcast %get3A_24 : vector<1x128xf32> to vector<1000x128xf32>
    %add3A_26 = arith.addf %dot_general3A_16, %add3A_25 : vector<1000x128xf32>
    %mul3A = vector.broadcast %div3A_21 : vector<1x128xf32> to vector<1000x128xf32>
    %mul3A_27 = arith.mulf %add3A_26, %mul3A : vector<1000x128xf32>
    %get3A_28 = arith.constant 0 : index
    %get3A_29 = arith.constant 0 : index
    %get3A_30 = vector.load %arg6[%get3A_28, %get3A_29] : memref<1x128xf32, #tpu.memory_space<vmem>>, vector<1x128xf32>
    %add3A_31 = vector.broadcast %get3A_30 : vector<1x128xf32> to vector<1000x128xf32>
    %add3A_32 = arith.addf %mul3A_27, %add3A_31 : vector<1000x128xf32>
    %max3A = arith.constant 0.000000e+00 : f32
    %max3A_33 = vector.broadcast %max3A : f32 to vector<1000x128xf32>
    %max3A_34 = arith.maximumf %add3A_32, %max3A_33 : vector<1000x128xf32>
    %get3A_35 = arith.constant 0 : index
    %get3A_36 = arith.constant 0 : index
    %get3A_37 = arith.constant 0 : index
    %get3A_38 = vector.load %arg7[%get3A_35, %get3A_36, %get3A_37] : memref<1x1x1000xi32, #tpu.memory_space<vmem>>, vector<1x1x1000xi32>
    %get3A_39 = vector.shape_cast %get3A_38 : vector<1x1x1000xi32> to vector<1000xi32>
    %iota3A = tpu.iota {dimensions = array<i32: 0>} : vector<64x1000xi32>
    %broadcast_in_dim3A = vector.shape_cast %get3A_39 : vector<1000xi32> to vector<1x1000xi32>
    %eq3A = vector.broadcast %broadcast_in_dim3A : vector<1x1000xi32> to vector<64x1000xi32>
    %eq3A_40 = arith.cmpi eq, %iota3A, %eq3A : vector<64x1000xi32>
    %convert_element_type3A = arith.extui %eq3A_40 : vector<64x1000xi1> to vector<64x1000xi32>
    %convert_element_type3A_41 = arith.sitofp %convert_element_type3A : vector<64x1000xi32> to vector<64x1000xf32>
    %dot_general3A_42 = arith.constant dense<0.000000e+00> : vector<64x128xf32>
    %dot_general3A_43 = tpu.matmul %convert_element_type3A_41, %max3A_34, %dot_general3A_42 {dimension_numbers = #tpu.dot_dimension_numbers<[1], [0], [0], [1], [0, 0, 1, 1], [], []>, precision = #tpu.contract_precision<fp32>, transpose_lhs_hint = false} : vector<64x1000xf32>, vector<1000x128xf32>, vector<64x128xf32> -> vector<64x128xf32>
    %eq3A_44 = arith.constant 0 : i32
    %eq3A_45 = arith.cmpi eq, %arg0, %eq3A_44 : i32
    %convert_element_type3A_46 = arith.extui %eq3A_45 : i1 to i32
    %cond3A = arith.constant 0 : i32
    %cond3A_47 = arith.cmpi ne, %convert_element_type3A_46, %cond3A : i32
    scf.if %cond3A_47 {
      %broadcast_in_dim3A_54 = arith.constant 0.000000e+00 : f32
      %broadcast_in_dim3A_55 = vector.broadcast %broadcast_in_dim3A_54 : f32 to vector<64x128xf32>
      %swap3A_56 = arith.constant 0 : index
      %swap3A_57 = arith.constant 0 : index
      %swap3A_58 = vector.load %arg8[%swap3A_56, %swap3A_57] : memref<64x128xf32, #tpu.memory_space<vmem>>, vector<64x128xf32>
      tpu.vector_store %arg8[%swap3A_56, %swap3A_57], %broadcast_in_dim3A_55 {strides = array<i32>} : memref<64x128xf32, #tpu.memory_space<vmem>>, vector<64x128xf32>,
    } else {
    }
    %get3A_48 = arith.constant 0 : index
    %get3A_49 = arith.constant 0 : index
    %get3A_50 = vector.load %arg8[%get3A_48, %get3A_49] : memref<64x128xf32, #tpu.memory_space<vmem>>, vector<64x128xf32>
    %add3A_51 = arith.addf %get3A_50, %dot_general3A_43 : vector<64x128xf32>
    %swap3A = arith.constant 0 : index
    %swap3A_52 = arith.constant 0 : index
    %swap3A_53 = vector.load %arg8[%swap3A, %swap3A_52] : memref<64x128xf32, #tpu.memory_space<vmem>>, vector<64x128xf32>
    tpu.vector_store %arg8[%swap3A, %swap3A_52], %add3A_51 {strides = array<i32>} : memref<64x128xf32, #tpu.memory_space<vmem>>, vector<64x128xf32>,
    return
  }
  func.func @transform_0(%arg0: i32) -> (i32, i32) {
    %c0_i32 = arith.constant 0 : i32
    %c0_i32_0 = arith.constant 0 : i32
    return %arg0, %c0_i32 : i32, i32
  }
  func.func @transform_1(%arg0: i32) -> (i32, i32, i32) {
    %c0_i32 = arith.constant 0 : i32
    %c0_i32_0 = arith.constant 0 : i32
    %c0_i32_1 = arith.constant 0 : i32
    return %c0_i32, %arg0, %c0_i32_0 : i32, i32, i32
  }
  func.func @transform_2(%arg0: i32) -> (i32, i32) {
    %c0_i32 = arith.constant 0 : i32
    %c0_i32_0 = arith.constant 0 : i32
    %c0_i32_1 = arith.constant 0 : i32
    return %c0_i32, %c0_i32_0 : i32, i32
  }
  func.func @transform_3(%arg0: i32) -> (i32, i32) {
    %c0_i32 = arith.constant 0 : i32
    %c0_i32_0 = arith.constant 0 : i32
    %c0_i32_1 = arith.constant 0 : i32
    return %c0_i32, %c0_i32_0 : i32, i32
  }
  func.func @transform_4(%arg0: i32) -> (i32, i32) {
    %c0_i32 = arith.constant 0 : i32
    %c0_i32_0 = arith.constant 0 : i32
    %c0_i32_1 = arith.constant 0 : i32
    return %c0_i32, %c0_i32_0 : i32, i32
  }
  func.func @transform_5(%arg0: i32) -> (i32, i32) {
    %c0_i32 = arith.constant 0 : i32
    %c0_i32_0 = arith.constant 0 : i32
    %c0_i32_1 = arith.constant 0 : i32
    return %c0_i32, %c0_i32_0 : i32, i32
  }
  func.func @transform_6(%arg0: i32) -> (i32, i32, i32) {
    %c0_i32 = arith.constant 0 : i32
    %c0_i32_0 = arith.constant 0 : i32
    %c0_i32_1 = arith.constant 0 : i32
    return %arg0, %c0_i32, %c0_i32_0 : i32, i32, i32
  }
  func.func @transform_7(%arg0: i32) -> (i32, i32) {
    %c0_i32 = arith.constant 0 : i32
    %c0_i32_0 = arith.constant 0 : i32
    %c0_i32_1 = arith.constant 0 : i32
    return %c0_i32, %c0_i32_0 : i32, i32
  }
}

</mosaic_0001>

<sc_bundles>
// kernel: kernel.10.cloned.1.call-start
scs
__scs_entry_jumppad:
0x0: {  	(pc) =	sbr.rel $0x88, $3  }
0x1: {  	(tag) =	ssettag $0x0;
	lr =	simm.s32 $0x1  }
0x2: {  	[smem:$0x3F86] =	sst lr;
	_ =	strace $0xD0000000  }
0x3: {  	_ = 	snop  }
0x4: {  	_ = 	snop  }
0x5: {  	_ = 	snop  }
0x6: {  	_ = 	snop  }
0x7: {  	_ = 	snop  }
__scs_overlays_trampoline_lowered:
0x8: {  	[smem:$0x3F95] =	sst s0  }
0x9: {  	[smem:$0x3F96] =	sst s1  }
0xa: {  	[smem:$0x3F97] =	sst s2  }
0xb: {  	[smem:$0x3F98] =	sst s3  }
0xc: {  	[smem:$0x3F99] =	sst s4  }
0xd: {  	[smem:$0x3F9A] =	sst s5  }
0xe: {  	[smem:$0x3F9B] =	sst s6  }
0xf: {  	[smem:$0x3F9C] =	sst s7  }
0x10: {  	[smem:$0x3F9D] =	sst s8  }
0x11: {  	[smem:$0x3F9E] =	sst s9;
	s0 =	simm.s32 @!p0 $0x0  }
0x12: {  	s1 =	sld [smem:$0x3F84];
	s0 =	simm.s32 @p0 $0x1  }
0x13: {  	[smem:$0x3F9F] =	sst s0;
	s0 =	simm.s32 @!p1 $0x0  }
0x14: {  	s2 =	sld [smem:$0x3F83];
	s0 =	simm.s32 @p1 $0x1  }
0x15: {  	[smem:$0x3FA0] =	sst s0;
	s0 =	simm.s32 @!p2 $0x0  }
0x16: {  	s3 =	sld [smem:$0x3FDB];
	s0 =	simm.s32 @p2 $0x1  }
0x17: {  	s4 =	simm.s32 $0x1BF5;
	[smem:$0x3FA2] =	sst s0  }
0x18: {  	s0 =	sld [smem:$0x3F85];
	_ =	swait.ge [sflag:s4], $0x0  }
0x19: {  	s7 =	sld [smem:$0x3F86]  }
0x1a: {  	s8 =	sadd.s32 $0xFFFFE003, lr  }
0x1b: {  	s9 =	sadd.s32 $0xFFFFFEF7, lr;
	s5 =	simm.s32 $0xFFFFFFFF;
	p2 =	slt.u32 s8, $0xFFFFF086  }
0x1c: {  	p1 =	slt.u32 s9, $0xF7A;
	s5 =	simm.s32 @!p2 $0x0  }
0x1d: {  	s5 =	simm.s32 @p1 $0x1;
	p0 =	seq.s32 s7, s2  }
0x1e: {  	s7 =	smul.u32 @!p0 $0xF7A, s2;
	p2 =	seq.s32 @!p0 s5, $0x0  }
0x1f: {  	s9 =	smul.u32 $0xF7A, s1;
	s8 =	simm.s32 @!p0 $0x1BF5;
	p2 =	por !p2, p0  }
0x20: {  	[sflag:s8] =	ssyncset.s32 @!p0 $0xFFFFF086;
	s6 =	sadd.s32 @!p0 s3, s7;
	s7 =	simm.s32 @!p0 $0x108  }
0x21: {  	s3 =	sadd.s32 s3, s9;
	s6 =	sadd.s32 @!p0 $0x88, s6;
	s7 =	simm.s32 @p2 $0x1082  }
0x22: {  	[simem:s7], [sflag:s8] =	dma.local @!p0 [hbm:s6], $0xF7A  }
0x23: {  	s9 =	sor.u32 $0xD0000000, s2;
	s6 =	simm.s32 $0x108;
	_ =	swait.ge @!p0 [sflag:s8], $0x0  }
0x24: {  	s3 =	sadd.s32 $0x88, s3;
	s6 =	simm.s32 @!p1 $0x1082;
	[sflag:s4] =	ssyncset.s32 $0xFFFFF086  }
0x25: {  	[simem:s6], [sflag:s4] =	dma.local [hbm:s3], $0xF7A  }
0x26: {  	[smem:$0x3F86] =	sst s1;
	(tag) =	ssettag s2;
	_ =	strace s9  }
0x27: {  	s1 =	sld [smem:$0x3F96]  }
0x28: {  	s2 =	sld [smem:$0x3F97]  }
0x29: {  	s4 =	sld [smem:$0x3F99]  }
0x2a: {  	p0 =	seq.s32 s5, $0x0;
	s5 =	sld [smem:$0x3F9A]  }
0x2b: {  	s6 =	sld [smem:$0x3F9B]  }
0x2c: {  	s7 =	sld [smem:$0x3F9C]  }
0x2d: {  	s3 =	simm.s32 $0x108;
	s8 =	sld [smem:$0x3F9D]  }
0x2e: {  	s3 =	simm.s32 @!p0 $0x1082;
	s9 =	sld [smem:$0x3F9E]  }
0x2f: {  	lr =	sadd.s32 s0, s3;
	s0 =	sld [smem:$0x3F95]  }
0x30: {  	s3 =	sld [smem:$0x3F98]  }
0x31: {  	[smem:$0x3FA1] =	sst s10  }
0x32: {  	s10 =	sld [smem:$0x3F9F];
	_ =	sdelay $0x3  }
0x33: {  	p0 =	seq.s32 s10, $0x1;
	s10 =	sld [smem:$0x3FA1];
	_ =	sdelay $0x3  }
0x34: {  	[smem:$0x3FA1] =	sst s10  }
0x35: {  	s10 =	sld [smem:$0x3FA0];
	_ =	sdelay $0x3  }
0x36: {  	p1 =	seq.s32 s10, $0x1;
	s10 =	sld [smem:$0x3FA1];
	_ =	sdelay $0x3  }
0x37: {  	[smem:$0x3FA1] =	sst s10  }
0x38: {  	s10 =	sld [smem:$0x3FA2]  }
0x39: {  	_ = 	snop;
	(pc) =	sbr.ind lr, $3  }
0x3a: {  	_ = 	snop  }
0x3b: {  	_ = 	snop  }
0x3c: {  	p2 =	seq.s32 s10, $0x1;
	s10 =	sld [smem:$0x3FA1]  }
0x3d: {  	_ =	shalt  }
0x3e: {  	_ =	shalt  }
0x3f: {  	_ =	shalt  }
0x40: {  	_ =	shalt  }
0x41: {  	_ =	shalt  }
0x42: {  	_ =	shalt  }
0x43: {  	_ =	shalt  }
0x44: {  	_ =	shalt  }
0x45: {  	_ =	shalt  }
0x46: {  	_ =	shalt  }
0x47: {  	_ =	shalt  }
0x48: {  	_ =	shalt  }
0x49: {  	_ =	shalt  }
0x4a: {  	_ =	shalt  }
0x4b: {  	_ =	shalt  }
0x4c: {  	_ =	shalt  }
0x4d: {  	_ =	shalt  }
0x4e: {  	_ =	shalt  }
0x4f: {  	_ =	shalt  }
0x50: {  	_ =	shalt  }
0x51: {  	_ =	shalt  }
0x52: {  	_ =	shalt  }
0x53: {  	_ =	shalt  }
0x54: {  	_ =	shalt  }
0x55: {  	_ =	shalt  }
0x56: {  	_ =	shalt  }
0x57: {  	_ =	shalt  }
0x58: {  	_ =	shalt  }
0x59: {  	_ =	shalt  }
0x5a: {  	_ =	shalt  }
0x5b: {  	_ =	shalt  }
0x5c: {  	_ =	shalt  }
0x5d: {  	_ =	shalt  }
0x5e: {  	_ =	shalt  }
0x5f: {  	_ =	shalt  }
0x60: {  	_ =	shalt  }
0x61: {  	_ =	shalt  }
0x62: {  	_ =	shalt  }
0x63: {  	_ =	shalt  }
0x64: {  	_ =	shalt  }
0x65: {  	_ =	shalt  }
0x66: {  	_ =	shalt  }
0x67: {  	_ =	shalt  }
0x68: {  	_ =	shalt  }
0x69: {  	_ =	shalt  }
0x6a: {  	_ =	shalt  }
0x6b: {  	_ =	shalt  }
0x6c: {  	_ =	shalt  }
0x6d: {  	_ =	shalt  }
0x6e: {  	_ =	shalt  }
0x6f: {  	_ =	shalt  }
0x70: {  	_ =	shalt  }
0x71: {  	_ =	shalt  }
0x72: {  	_ =	shalt  }
0x73: {  	_ =	shalt  }
0x74: {  	_ =	shalt  }
0x75: {  	_ =	shalt  }
0x76: {  	_ =	shalt  }
0x77: {  	_ =	shalt  }
0x78: {  	_ =	shalt  }
0x79: {  	_ =	shalt  }
0x7a: {  	_ =	shalt  }
0x7b: {  	_ =	shalt  }
0x7c: {  	_ =	shalt  }
0x7d: {  	_ =	shalt  }
0x7e: {  	_ =	shalt  }
0x7f: {  	_ =	shalt  }
0x80: {  	_ =	shalt  }
0x81: {  	_ =	shalt  }
0x82: {  	_ =	shalt  }
0x83: {  	_ =	shalt  }
0x84: {  	_ =	shalt  }
0x85: {  	_ =	shalt  }
0x86: {  	_ =	shalt  }
0x87: {  	_ =	shalt  }
.Lfunc_end0:
.L_simem_size_0:
called_computation.1_lowered:
.L_overlay_start_0:
0x88: {  	s2 =	sld [smem:$0x3FD9]  }
0x89: {  	s3 =	sld [smem:$0x3FFE];
	_ =	sdelay $0x1  }
0x8a: {  	s1 =	srdreg.scid  }
0x8b: {  	s0 =	sand.u32 $0x1, s1  }
0x8c: {  	s16 =	sshll.u32 s0, $0xA;
	s2 =	sadd.s32 s3, s2  }
0x8d: {  	s2 =	sadd.s32 s2, s16  }
0x8e: {  	[smem:$0x3FAD] =	sst s2  }
0x8f: {  	_ = 	snop  }
0x90: {  	(tm) =	ssettm $0x1  }
0x91: {  	s17 =	sld [smem:$0x3FFB];
	_ =	sdelay $0x3  }
0x92: {  	_ =	strace s17  }
0x93: {  	s2 =	sld [smem:$0x3FFC];
	_ =	sdelay $0x3  }
0x94: {  	_ =	strace s2  }
0x95: {  	s2 =	sld [smem:$0x3FFD];
	_ =	sdelay $0x3  }
0x96: {  	_ =	strace s2  }
0x97: {  	_ =	strace $0x8FFFFFFF  }
0x98: {  	s18 =	sld [smem:$0x3FDB];
	_ =	sdelay $0x1  }
0x99: {  	s19 =	simm.s32 $_scs_section_size  }
0x9a: {  	s4 =	simm.s32 $_size__tile_overlayer_lowered;
	s5 =	simm.s32 $_tile_overlayer_lowered  }
0x9b: {  	s22 =	simm.s32 $0x1BFF;
	s21 =	sshll.u32 s5, $0x1;
	s2 =	sadd.s32 s19, s18  }
0x9c: {  	s6 =	simm.s32 $0x0;
	s20 =	sshll.u32 s4, $0x1;
	s4 =	sadd.s32 s21, s2  }
0x9d: {  	[timem:s6], [sflag:s22] =	dma.local [hbm:s4], s20  }
0x9e: {  	_ =	swait.ge [sflag:s22], s20  }
0x9f: {  	s3 =	ssub.s32 $0x0, s20;
	[sflag:s22] =	ssyncset.done $0x0  }
0xa0: {  	[sflag:s22] =	ssyncadd.s32 s3;
	_ =	sdelay $0x1  }
0xa1: {  	s23 =	simm.s32 $0x1B8B  }
0xa2: {  	_ =	swait.ge [sflag:s23], $0x1  }
0xa3: {  	[sflag:s23] =	ssyncset.done $0x0  }
0xa4: {  	s25 =	simm.s32 $0x1B8E;
	s24 =	sld [smem:$0x3FFE];
	[sflag:s23] =	ssyncadd.s32 $0xFFFFFFFF  }
0xa5: {  	s26 =	simm.s32 $execute0_lowered;
	[smem:$0x3FD2] =	sst s25  }
0xa6: {  	s4 =	sshll.u32 s26, $0x1;
	_ =	strace $0x80000049;
	[dreg:$0x1] =	wrdreg $0xFFFFFFFF  }
0xa7: {  	s28 =	simm.s32 $_size_execute0_lowered;
	s2 =	sadd.s32 s2, s4;
	[dreg:$0x0] =	wrdreg $0x0  }
0xa8: {  	s4 =	sshll.u32 s28, $0x1;
	[dreg:$0x2] =	wrdreg s2  }
0xa9: {  	[dreg:$0x3] =	wrdreg s4  }
0xaa: {  	[dreg:$0x4] =	wrdreg $0xC0  }
0xab: {  	_ =	task [dreg:s6], $0x5FFFF  }
0xac: {  	[dreg:$0x1] =	wrdreg $0xFFFFFFFF  }
0xad: {  	[dreg:$0x0] =	wrdreg $0x60  }
0xae: {  	[dreg:$0x2] =	wrdreg s24  }
0xaf: {  	[dreg:$0x3] =	wrdreg $0xA8000  }
0xb0: {  	[dreg:$0x4] =	wrdreg $0x9  }
0xb1: {  	_ =	task.clear_ibuf [dreg:s6], $0x5FFFF;
	_ =	strace $0x90000049  }
0xb2: {  	s29 =	simm.s32 $0x9;
	_ =	strace $0x8000004B  }
0xb3: {  	_ =	swait.ge [sflag:s29], $0x1  }
0xb4: {  	[sflag:s29] =	ssyncadd.s32 $0xFFFFFFFF  }
0xb5: {  	_ =	strace $0x9000004B  }
0xb6: {  	_ =	sfence  }
0xb7: {  	s30 =	sld [smem:$0x0];
	_ =	sdelay $0x2  }
0xb8: {  	s31 =	sshll.u32 s1, $0xD;
	s1 =	sshrl.u32 s1, $0x2  }
0xb9: {  	s3 =	sand.u32 $0x4000, s31;
	s1 =	sadd.s32 s1, s30  }
0xba: {  	s0 =	sor.u32 s3, s0;
	s1 =	sshll.u32 s1, $0x11  }
0xbb: {  	s0 =	sor.u32 s1, s0  }
0xbc: {  	s0 =	sadd.s32 $0x8F2B, s0  }
0xbd: {  	[sflag:s0] =	ssyncadd.remote.s32 $0x1  }
0xbe: {  	_ =	sfence.sel $0xFFFF  }
0xbf: {  	[dreg:$0x0] =	wrdreg $0xFFFFFFFF;
	(pc) =	sbr.abs _section_cstart, $3  }
0xc0: {  	[dreg:$0x1] =	wrdreg $0xFFFFFFFF  }
0xc1: {  	_ =	task.clear_ibuf [dreg:s6], $0x2FFFF;
	_ =	strace $0x9FFFFFFF  }
0xc2: {  	(tm) =	ssettm $0x7FFFFFFF  }
0xc3: {  	_ =	shalt  }
tec
execute0_lowered:
.L_overlay_start_1:
0x0: {  	(tag) =	ssettag $0x1  }
0x1: {  	s5 =	rddreg [dreg:$0x0]  }
0x2: {  	s1 =	rddreg [dreg:$0x1];
	s2 =	srdreg.scid  }
0x3: {  	s0 =	rddreg [dreg:$0x2];
	s3 =	simm.s32 $0x0;
	s17 =	simm.s32 $0x5  }
0x4: {  	s18 =	simm.s32 $0x1400;
	s19 =	simm.s32 $0x80;
	s20 =	simm.s32 $0x1  }
0x5: {  	s21 =	simm.s32 $0x6800;
	s22 =	simm.s32 $0x2;
	s23 =	simm.s32 $0x3  }
0x6: {  	s24 =	simm.s32 $0x100;
	s25 =	simm.s32 $0x1480;
	s28 =	simm.s32 $0x0  }
0x7: {  	s6 =	sand.u32 $0x1, s2;
	s2 =	stileid.u32;
	[smem:$0x7FF] =	sst s3  }
0x8: {  	s4 =	sadd.s32 $0x18800, s5;
	s14 =	sadd.s32 $0x4800, s5;
	s7 =	smul.u32 $0x140000, s6  }
0x9: {  	s15 =	sadd.s32 $0xE800, s5;
	s8 =	smul.u32 $0x14000, s2;
	_ =	strace $0x8000004A  }
0xa: {  	s26 =	smul.u32 $0x50000, s2;
	s29 =	ssub.s32 $0x2, s6;
	s30 =	sshll.u32 s2, $0x1  }
0xb: {  	s9 =	sshrl.u32 s29, $0x1;
	s6 =	sor.u32 s6, s30;
	s7 =	sadd.s32 s8, s7  }
0xc: {  	s31 =	sshrl.u32 s26, $0x2;
	s11 =	ssub.s32 s29, s9;
	s12 =	smul.u32 $0x2800, s6  }
0xd: {  	s26 =	simm.s32 $0x4;
	s7 =	sshrl.u32 s7, $0x3;
	s11 =	smax.u32 s11, $0x1  }
.Ltmp0:
0xe: {  	s10 =	sadd.s32 s7, s5;
	s5 =	sadd.s32 s31, s1;
	(pc) =	sbr.rel .LBB2_1-.Ltmp0, $4  }
0xf: {  	s13 =	sshrl.u32 s12, $0x3;
	s6 =	sadd.s32 $0x4000, s5;
	s7 =	sadd.s32 $0x8000, s5  }
0x10: {  	s8 =	sadd.s32 $0xC000, s5;
	s9 =	sadd.s32 $0x10000, s5;
	s10 =	sadd.s32 $0x3FA00, s10  }
0x11: {  	s12 =	sadd.s32 s14, s13;
	s16 =	sadd.s32 $0x280, s13;
	s13 =	sadd.s32 s15, s13  }
0x12: {  	v0 =	vimm.f32 $0.0e+00;
	s14 =	sadd.s32 s14, s16;
	s15 =	sadd.s32 s15, s16;
	s16 =	simm.s32 $0x2800  }
.LBB2_9:
0x13: {  	[spmem:s1] =	stream.indirect.scatter.add.f32 [tilespmem:s21], [sflag:$0x4], $0x80, s31, s19, $0xb8;
	[tilespmem:$0x1E800] =	vst v63  }
0x14: {  	_ =	swait.ge [sflag:s26], $0x4000  }
0x15: {  	s29 =	sshll.u32 s2, $0x6;
	s28 =	sadd.s32 $0x1, s28;
	[sflag:s26] =	ssyncset.done $0x0  }
0x16: {  	s30 =	sshrl.u32 s5, $0x3;
	p0 =	sne.s32 s28, s11;
	[sflag:s26] =	ssyncadd.s32 $0xFFFFC000  }
.Ltmp1:
0x17: {  	s29 =	sor.u32 $0x1C05, s29;
	[bflag:$0x0] =	sbarrier.arrive $0xFFFF;
	(pc) =	sbr.rel @!p0 .LBB2_10-.Ltmp1, $4  }
0x18: {  	[hbm:s10], [sflag:s29] =	dma.local [spmem:s30], $0x2800  }
0x19: {  	_ =	swait.ge [sflag:s17], $0x2800  }
0x1a: {  	[sflag:s17] =	ssyncset.done $0x0  }
0x1b: {  	[sflag:s17] =	ssyncadd.s32 $0xFFFFD800  }
.LBB2_1:
0x1c: {  	s29 =	simm.s32 $0x0;
	s30 =	simm.s32 $0x200  }
.LBB2_2:
0x1d: {  	p0 =	sne.s32 s30, $0xFE00;
	[tilespmem:s29+$0x2870] =	vst v0  }
0x1e: {  	[tilespmem:s29+$0x2800] =	vst v0  }
0x1f: {  	[tilespmem:s29+$0x2810] =	vst v0  }
.Ltmp2:
0x20: {  	[tilespmem:s29+$0x2820] =	vst v0;
	(pc) =	sbr.rel @p0 .LBB2_2-.Ltmp2, $4  }
0x21: {  	[tilespmem:s29+$0x2830] =	vst v0  }
0x22: {  	[tilespmem:s29+$0x2840] =	vst v0  }
0x23: {  	[tilespmem:s29+$0x2850] =	vst v0  }
0x24: {  	[tilespmem:s29+$0x2860] =	vst v0;
	s29 =	sshra.s32 s30, $0x2;
	s30 =	sadd.s32 $0x200, s30  }
0x25: {  	[tilespmem:s29+$0x2870] =	vst v0  }
0x26: {  	[tilespmem:s29+$0x2800] =	vst v0  }
0x27: {  	[tilespmem:s29+$0x2810] =	vst v0  }
0x28: {  	[tilespmem:s29+$0x2820] =	vst v0  }
0x29: {  	[tilespmem:s29+$0x2830] =	vst v0  }
0x2a: {  	[tilespmem:s29+$0x2840] =	vst v0  }
0x2b: {  	[tilespmem:s29+$0x2850] =	vst v0  }
0x2c: {  	[tilespmem:s29+$0x2860] =	vst v0  }
0x2d: {  	[spmem:s5] =	stream.linear.scatter [tilespmem:s16], [sflag:$0x5], $0x4000, $0x38;
	[tilespmem:$0x1E800] =	vst v63  }
0x2e: {  	_ =	swait.ge [sflag:s17], $0x4000  }
0x2f: {  	[sflag:s17] =	ssyncset.done $0x0  }
0x30: {  	[sflag:s17] =	ssyncadd.s32 $0xFFFFC000  }
0x31: {  	[spmem:s6] =	stream.linear.scatter [tilespmem:s16], [sflag:$0x5], $0x4000, $0x38;
	[tilespmem:$0x1E800] =	vst v63  }
0x32: {  	_ =	swait.ge [sflag:s17], $0x4000  }
0x33: {  	[sflag:s17] =	ssyncset.done $0x0  }
0x34: {  	[sflag:s17] =	ssyncadd.s32 $0xFFFFC000  }
0x35: {  	[spmem:s7] =	stream.linear.scatter [tilespmem:s16], [sflag:$0x5], $0x4000, $0x38;
	[tilespmem:$0x1E800] =	vst v63  }
0x36: {  	_ =	swait.ge [sflag:s17], $0x4000  }
0x37: {  	[sflag:s17] =	ssyncset.done $0x0  }
0x38: {  	[sflag:s17] =	ssyncadd.s32 $0xFFFFC000  }
0x39: {  	[spmem:s8] =	stream.linear.scatter [tilespmem:s16], [sflag:$0x5], $0x4000, $0x38;
	[tilespmem:$0x1E800] =	vst v63  }
0x3a: {  	_ =	swait.ge [sflag:s17], $0x4000  }
0x3b: {  	[sflag:s17] =	ssyncset.done $0x0  }
0x3c: {  	[sflag:s17] =	ssyncadd.s32 $0xFFFFC000  }
0x3d: {  	[spmem:s9] =	stream.linear.scatter [tilespmem:s16], [sflag:$0x5], $0x4000, $0x38;
	[tilespmem:$0x1E800] =	vst v63  }
0x3e: {  	_ =	swait.ge [sflag:s17], $0x4000  }
0x3f: {  	[sflag:s17] =	ssyncset.done $0x0  }
0x40: {  	[sflag:s17] =	ssyncadd.s32 $0xFFFFC000  }
0x41: {  	[bflag:$0x0] =	sbarrier.arrive $0xFFFF  }
0x42: {  	[tilespmem:s3], [sflag:$0x5] =	stream.linear.gather [hbm4b:s12+s3], $0x1400, $0x38;
	[tilespmem:$0x1E800] =	vst v63  }
0x43: {  	_ =	swait.ge [sflag:s17], $0x1400  }
0x44: {  	[sflag:s17] =	ssyncset.done $0x0  }
0x45: {  	[sflag:s17] =	ssyncadd.s32 $0xFFFFEC00  }
0x46: {  	[tilespmem:s18], [sflag:$0x5] =	stream.linear.gather [hbm4b:s13+s3], $0x1400, $0x38;
	[tilespmem:$0x1E800] =	vst v63  }
0x47: {  	_ =	swait.ge [sflag:s17], $0x1400  }
0x48: {  	[sflag:s17] =	ssyncset.done $0x0  }
0x49: {  	[sflag:s17] =	ssyncadd.s32 $0xFFFFEC00  }
0x4a: {  	[tilespmem:s16], [sflag:$0x1] =	stream.indirect.gather [hbm4b:s4+s19], $0x80, s3, s19, $0xb8;
	[tilespmem:$0x1E800] =	vst v63  }
0x4b: {  	_ =	swait.ge [sflag:s20], $0x4000  }
0x4c: {  	[sflag:s20] =	ssyncset.done $0x0  }
0x4d: {  	[sflag:s20] =	ssyncadd.s32 $0xFFFFC000  }
0x4e: {  	[tilespmem:s21], [sflag:$0x2] =	stream.indirect.gather [hbm4b:s4+s19], $0x80, s19, s19, $0xb8;
	[tilespmem:$0x1E800] =	vst v63  }
0x4f: {  	_ = 	snop  }
0x50: {  	[spmem:s1] =	stream.indirect.scatter.add.f32 [tilespmem:s16], [sflag:$0x3], $0x80, s18, s19, $0xb8;
	[tilespmem:$0x1E800] =	vst v63  }
0x51: {  	_ =	swait.ge [sflag:s22], $0x4000  }
0x52: {  	[sflag:s22] =	ssyncset.done $0x0  }
0x53: {  	[sflag:s22] =	ssyncadd.s32 $0xFFFFC000  }
0x54: {  	_ =	swait.ge [sflag:s23], $0x4000  }
0x55: {  	[sflag:s23] =	ssyncset.done $0x0  }
0x56: {  	[sflag:s23] =	ssyncadd.s32 $0xFFFFC000  }
0x57: {  	[tilespmem:s16], [sflag:$0x1] =	stream.indirect.gather [hbm4b:s4+s19], $0x80, s24, s19, $0xb8;
	[tilespmem:$0x1E800] =	vst v63  }
0x58: {  	s29 =	simm.s32 $0xFFFFB800  }
0x59: {  	[spmem:s1] =	stream.indirect.scatter.add.f32 [tilespmem:s21], [sflag:$0x4], $0x80, s25, s19, $0xb8;
	[tilespmem:$0x1E800] =	vst v63  }
.LBB2_4:
0x5a: {  	_ =	swait.ge [sflag:s20], $0x4000  }
0x5b: {  	[sflag:s20] =	ssyncset.done $0x0  }
0x5c: {  	[sflag:s20] =	ssyncadd.s32 $0xFFFFC000  }
0x5d: {  	_ =	swait.ge [sflag:s26], $0x4000  }
0x5e: {  	s30 =	sshra.s32 s29, $0x2;
	[sflag:s26] =	ssyncset.done $0x0  }
0x5f: {  	s31 =	sadd.s32 $0x1380, s30;
	[sflag:s26] =	ssyncadd.s32 $0xFFFFC000  }
0x60: {  	[tilespmem:s21], [sflag:$0x2] =	stream.indirect.gather [hbm4b:s4+s19], $0x80, s31, s19, $0xb8;
	[tilespmem:$0x1E800] =	vst v63  }
0x61: {  	s31 =	sadd.s32 $0x2700, s30  }
0x62: {  	[spmem:s1] =	stream.indirect.scatter.add.f32 [tilespmem:s16], [sflag:$0x3], $0x80, s31, s19, $0xb8;
	[tilespmem:$0x1E800] =	vst v63  }
0x63: {  	p0 =	seq.s32 s29, $0x0;
	_ =	swait.ge [sflag:s22], $0x4000  }
.Ltmp3:
0x64: {  	[sflag:s22] =	ssyncset.done $0x0;
	(pc) =	sbr.rel @p0 .LBB2_6-.Ltmp3, $4  }
0x65: {  	[sflag:s22] =	ssyncadd.s32 $0xFFFFC000  }
0x66: {  	_ =	swait.ge [sflag:s23], $0x4000  }
0x67: {  	[sflag:s23] =	ssyncset.done $0x0  }
0x68: {  	s31 =	sadd.s32 $0x2780, s30;
	[sflag:s23] =	ssyncadd.s32 $0xFFFFC000  }
.Ltmp4:
0x69: {  	(pc) =	sbr.rel .LBB2_4-.Ltmp4, $4  }
0x6a: {  	s30 =	sadd.s32 $0x1400, s30  }
0x6b: {  	[tilespmem:s16], [sflag:$0x1] =	stream.indirect.gather [hbm4b:s4+s19], $0x80, s30, s19, $0xb8;
	[tilespmem:$0x1E800] =	vst v63  }
0x6c: {  	s29 =	sadd.s32 $0x400, s29  }
0x6d: {  	[spmem:s1] =	stream.indirect.scatter.add.f32 [tilespmem:s21], [sflag:$0x4], $0x80, s31, s19, $0xb8;
	[tilespmem:$0x1E800] =	vst v63  }
.LBB2_6:
0x6e: {  	[spmem:s1] =	stream.indirect.scatter.add.f32 [tilespmem:s21], [sflag:$0x4], $0x80, s31, s19, $0xb8;
	[tilespmem:$0x1E800] =	vst v63  }
0x6f: {  	_ =	swait.ge [sflag:s26], $0x4000  }
0x70: {  	[sflag:s26] =	ssyncset.done $0x0  }
0x71: {  	[sflag:s26] =	ssyncadd.s32 $0xFFFFC000  }
0x72: {  	[tilespmem:s3], [sflag:$0x5] =	stream.linear.gather [hbm4b:s14+s3], $0x1400, $0x38;
	[tilespmem:$0x1E800] =	vst v63  }
0x73: {  	_ =	swait.ge [sflag:s17], $0x1400  }
0x74: {  	[sflag:s17] =	ssyncset.done $0x0  }
0x75: {  	[sflag:s17] =	ssyncadd.s32 $0xFFFFEC00  }
0x76: {  	[tilespmem:s18], [sflag:$0x5] =	stream.linear.gather [hbm4b:s15+s3], $0x1400, $0x38;
	[tilespmem:$0x1E800] =	vst v63  }
0x77: {  	_ =	swait.ge [sflag:s17], $0x1400  }
0x78: {  	[sflag:s17] =	ssyncset.done $0x0  }
0x79: {  	[sflag:s17] =	ssyncadd.s32 $0xFFFFEC00  }
0x7a: {  	[tilespmem:s16], [sflag:$0x1] =	stream.indirect.gather [hbm4b:s4+s19], $0x80, s3, s19, $0xb8;
	[tilespmem:$0x1E800] =	vst v63  }
0x7b: {  	_ =	swait.ge [sflag:s20], $0x4000  }
0x7c: {  	[sflag:s20] =	ssyncset.done $0x0  }
0x7d: {  	[sflag:s20] =	ssyncadd.s32 $0xFFFFC000  }
0x7e: {  	[tilespmem:s21], [sflag:$0x2] =	stream.indirect.gather [hbm4b:s4+s19], $0x80, s19, s19, $0xb8;
	[tilespmem:$0x1E800] =	vst v63  }
0x7f: {  	_ = 	snop  }
0x80: {  	[spmem:s1] =	stream.indirect.scatter.add.f32 [tilespmem:s16], [sflag:$0x3], $0x80, s18, s19, $0xb8;
	[tilespmem:$0x1E800] =	vst v63  }
0x81: {  	_ =	swait.ge [sflag:s22], $0x4000  }
0x82: {  	[sflag:s22] =	ssyncset.done $0x0  }
0x83: {  	[sflag:s22] =	ssyncadd.s32 $0xFFFFC000  }
0x84: {  	_ =	swait.ge [sflag:s23], $0x4000  }
0x85: {  	[sflag:s23] =	ssyncset.done $0x0  }
0x86: {  	[sflag:s23] =	ssyncadd.s32 $0xFFFFC000  }
0x87: {  	[tilespmem:s16], [sflag:$0x1] =	stream.indirect.gather [hbm4b:s4+s19], $0x80, s24, s19, $0xb8;
	[tilespmem:$0x1E800] =	vst v63  }
0x88: {  	s29 =	simm.s32 $0xFFFFB800  }
0x89: {  	[spmem:s1] =	stream.indirect.scatter.add.f32 [tilespmem:s21], [sflag:$0x4], $0x80, s25, s19, $0xb8;
	[tilespmem:$0x1E800] =	vst v63  }
.LBB2_7:
0x8a: {  	_ =	swait.ge [sflag:s20], $0x4000  }
0x8b: {  	[sflag:s20] =	ssyncset.done $0x0  }
0x8c: {  	[sflag:s20] =	ssyncadd.s32 $0xFFFFC000  }
0x8d: {  	_ =	swait.ge [sflag:s26], $0x4000  }
0x8e: {  	s30 =	sshra.s32 s29, $0x2;
	[sflag:s26] =	ssyncset.done $0x0  }
0x8f: {  	s31 =	sadd.s32 $0x1380, s30;
	[sflag:s26] =	ssyncadd.s32 $0xFFFFC000  }
0x90: {  	[tilespmem:s21], [sflag:$0x2] =	stream.indirect.gather [hbm4b:s4+s19], $0x80, s31, s19, $0xb8;
	[tilespmem:$0x1E800] =	vst v63  }
0x91: {  	s31 =	sadd.s32 $0x2700, s30  }
0x92: {  	[spmem:s1] =	stream.indirect.scatter.add.f32 [tilespmem:s16], [sflag:$0x3], $0x80, s31, s19, $0xb8;
	[tilespmem:$0x1E800] =	vst v63  }
0x93: {  	p0 =	seq.s32 s29, $0x0;
	_ =	swait.ge [sflag:s22], $0x4000  }
.Ltmp5:
0x94: {  	[sflag:s22] =	ssyncset.done $0x0;
	(pc) =	sbr.rel @p0 .LBB2_9-.Ltmp5, $4  }
0x95: {  	[sflag:s22] =	ssyncadd.s32 $0xFFFFC000  }
0x96: {  	_ =	swait.ge [sflag:s23], $0x4000  }
0x97: {  	[sflag:s23] =	ssyncset.done $0x0  }
0x98: {  	s31 =	sadd.s32 $0x2780, s30;
	[sflag:s23] =	ssyncadd.s32 $0xFFFFC000  }
.Ltmp6:
0x99: {  	(pc) =	sbr.rel .LBB2_7-.Ltmp6, $4  }
0x9a: {  	s30 =	sadd.s32 $0x1400, s30  }
0x9b: {  	[tilespmem:s16], [sflag:$0x1] =	stream.indirect.gather [hbm4b:s4+s19], $0x80, s30, s19, $0xb8;
	[tilespmem:$0x1E800] =	vst v63  }
0x9c: {  	s29 =	sadd.s32 $0x400, s29  }
0x9d: {  	[spmem:s1] =	stream.indirect.scatter.add.f32 [tilespmem:s21], [sflag:$0x4], $0x80, s31, s19, $0xb8;
	[tilespmem:$0x1E800] =	vst v63  }
.LBB2_10:
0x9e: {  	_ =	sfence.sel $0x180000  }
0x9f: {  	[bflag:$0x0] =	sbarrier.arrive $0xFFFF  }
0xa0: {  	p0 =	sne.s32 s2, $0x0;
	_ =	strace $0x9000004A  }
0xa1: {  	s0 =	sadd.s32 @!p0 $0x100000, s0;
	[bflag:$0x2] =	sbarrier.arrive $0xFFFF  }
0xa2: {  	[sflag:s0] =	ssyncadd.tile.s32 @!p0 $0x1;
	_ =	shalt  }
.Lfunc_end2:
_tile_overlayer_lowered:
.L_overlay_start_2:
0xa3: {  	(tag) =	ssettag $0x2  }
0xa4: {  	s0 =	rddreg [dreg:$0x0];
	s2 =	stileid.u32  }
0xa5: {  	s1 =	rddreg [dreg:$0x1];
	p0 =	sne.s32 s2, $0x0  }
0xa6: {  	s3 =	rddreg [dreg:$0x2];
	[bflag:$0x3] =	sbarrier.arrive $0xFFFF;
	s2 =	simm.s32 @!p0 $0x1C05  }
0xa7: {  	[timem:s3], [sflag:s2] =	dma.local @!p0 [hbm:s0], s1  }
0xa8: {  	s0 =	simm.s32 @!p0 $0x5  }
0xa9: {  	_ =	swait.ge @!p0 [sflag:s0], s1  }
0xaa: {  	s1 =	ssub.s32 @!p0 $0x0, s1;
	[sflag:s0] =	ssyncset.done @!p0 $0x0  }
0xab: {  	[sflag:s0] =	ssyncadd.s32 @!p0 s1  }
0xac: {  	[bflag:$0x3] =	sbarrier.arrive $0xFFFF  }
0xad: {  	_ =	shalt  }

// kernel: kernel.7.cloned.1.call-start
scs
__scs_entry_jumppad:
0x0: {  	(pc) =	sbr.rel $0x88, $3  }
0x1: {  	(tag) =	ssettag $0x0;
	lr =	simm.s32 $0x1  }
0x2: {  	[smem:$0x3F86] =	sst lr;
	_ =	strace $0xD0000000  }
0x3: {  	_ = 	snop  }
0x4: {  	_ = 	snop  }
0x5: {  	_ = 	snop  }
0x6: {  	_ = 	snop  }
0x7: {  	_ = 	snop  }
__scs_overlays_trampoline_lowered:
0x8: {  	[smem:$0x3F95] =	sst s0  }
0x9: {  	[smem:$0x3F96] =	sst s1  }
0xa: {  	[smem:$0x3F97] =	sst s2  }
0xb: {  	[smem:$0x3F98] =	sst s3  }
0xc: {  	[smem:$0x3F99] =	sst s4  }
0xd: {  	[smem:$0x3F9A] =	sst s5  }
0xe: {  	[smem:$0x3F9B] =	sst s6  }
0xf: {  	[smem:$0x3F9C] =	sst s7  }
0x10: {  	[smem:$0x3F9D] =	sst s8  }
0x11: {  	[smem:$0x3F9E] =	sst s9;
	s0 =	simm.s32 @!p0 $0x0  }
0x12: {  	s1 =	sld [smem:$0x3F84];
	s0 =	simm.s32 @p0 $0x1  }
0x13: {  	[smem:$0x3F9F] =	sst s0;
	s0 =	simm.s32 @!p1 $0x0  }
0x14: {  	s2 =	sld [smem:$0x3F83];
	s0 =	simm.s32 @p1 $0x1  }
0x15: {  	[smem:$0x3FA0] =	sst s0;
	s0 =	simm.s32 @!p2 $0x0  }
0x16: {  	s3 =	sld [smem:$0x3FDB];
	s0 =	simm.s32 @p2 $0x1  }
0x17: {  	s4 =	simm.s32 $0x1BF5;
	[smem:$0x3FA2] =	sst s0  }
0x18: {  	s0 =	sld [smem:$0x3F85];
	_ =	swait.ge [sflag:s4], $0x0  }
0x19: {  	s7 =	sld [smem:$0x3F86]  }
0x1a: {  	s8 =	sadd.s32 $0xFFFFE003, lr  }
0x1b: {  	s9 =	sadd.s32 $0xFFFFFEF7, lr;
	s5 =	simm.s32 $0xFFFFFFFF;
	p2 =	slt.u32 s8, $0xFFFFF086  }
0x1c: {  	p1 =	slt.u32 s9, $0xF7A;
	s5 =	simm.s32 @!p2 $0x0  }
0x1d: {  	s5 =	simm.s32 @p1 $0x1;
	p0 =	seq.s32 s7, s2  }
0x1e: {  	s7 =	smul.u32 @!p0 $0xF7A, s2;
	p2 =	seq.s32 @!p0 s5, $0x0  }
0x1f: {  	s9 =	smul.u32 $0xF7A, s1;
	s8 =	simm.s32 @!p0 $0x1BF5;
	p2 =	por !p2, p0  }
0x20: {  	[sflag:s8] =	ssyncset.s32 @!p0 $0xFFFFF086;
	s6 =	sadd.s32 @!p0 s3, s7;
	s7 =	simm.s32 @!p0 $0x108  }
0x21: {  	s3 =	sadd.s32 s3, s9;
	s6 =	sadd.s32 @!p0 $0x88, s6;
	s7 =	simm.s32 @p2 $0x1082  }
0x22: {  	[simem:s7], [sflag:s8] =	dma.local @!p0 [hbm:s6], $0xF7A  }
0x23: {  	s9 =	sor.u32 $0xD0000000, s2;
	s6 =	simm.s32 $0x108;
	_ =	swait.ge @!p0 [sflag:s8], $0x0  }
0x24: {  	s3 =	sadd.s32 $0x88, s3;
	s6 =	simm.s32 @!p1 $0x1082;
	[sflag:s4] =	ssyncset.s32 $0xFFFFF086  }
0x25: {  	[simem:s6], [sflag:s4] =	dma.local [hbm:s3], $0xF7A  }
0x26: {  	[smem:$0x3F86] =	sst s1;
	(tag) =	ssettag s2;
	_ =	strace s9  }
0x27: {  	s1 =	sld [smem:$0x3F96]  }
0x28: {  	s2 =	sld [smem:$0x3F97]  }
0x29: {  	s4 =	sld [smem:$0x3F99]  }
0x2a: {  	p0 =	seq.s32 s5, $0x0;
	s5 =	sld [smem:$0x3F9A]  }
0x2b: {  	s6 =	sld [smem:$0x3F9B]  }
0x2c: {  	s7 =	sld [smem:$0x3F9C]  }
0x2d: {  	s3 =	simm.s32 $0x108;
	s8 =	sld [smem:$0x3F9D]  }
0x2e: {  	s3 =	simm.s32 @!p0 $0x1082;
	s9 =	sld [smem:$0x3F9E]  }
0x2f: {  	lr =	sadd.s32 s0, s3;
	s0 =	sld [smem:$0x3F95]  }
0x30: {  	s3 =	sld [smem:$0x3F98]  }
0x31: {  	[smem:$0x3FA1] =	sst s10  }
0x32: {  	s10 =	sld [smem:$0x3F9F];
	_ =	sdelay $0x3  }
0x33: {  	p0 =	seq.s32 s10, $0x1;
	s10 =	sld [smem:$0x3FA1];
	_ =	sdelay $0x3  }
0x34: {  	[smem:$0x3FA1] =	sst s10  }
0x35: {  	s10 =	sld [smem:$0x3FA0];
	_ =	sdelay $0x3  }
0x36: {  	p1 =	seq.s32 s10, $0x1;
	s10 =	sld [smem:$0x3FA1];
	_ =	sdelay $0x3  }
0x37: {  	[smem:$0x3FA1] =	sst s10  }
0x38: {  	s10 =	sld [smem:$0x3FA2]  }
0x39: {  	_ = 	snop;
	(pc) =	sbr.ind lr, $3  }
0x3a: {  	_ = 	snop  }
0x3b: {  	_ = 	snop  }
0x3c: {  	p2 =	seq.s32 s10, $0x1;
	s10 =	sld [smem:$0x3FA1]  }
0x3d: {  	_ =	shalt  }
0x3e: {  	_ =	shalt  }
0x3f: {  	_ =	shalt  }
0x40: {  	_ =	shalt  }
0x41: {  	_ =	shalt  }
0x42: {  	_ =	shalt  }
0x43: {  	_ =	shalt  }
0x44: {  	_ =	shalt  }
0x45: {  	_ =	shalt  }
0x46: {  	_ =	shalt  }
0x47: {  	_ =	shalt  }
0x48: {  	_ =	shalt  }
0x49: {  	_ =	shalt  }
0x4a: {  	_ =	shalt  }
0x4b: {  	_ =	shalt  }
0x4c: {  	_ =	shalt  }
0x4d: {  	_ =	shalt  }
0x4e: {  	_ =	shalt  }
0x4f: {  	_ =	shalt  }
0x50: {  	_ =	shalt  }
0x51: {  	_ =	shalt  }
0x52: {  	_ =	shalt  }
0x53: {  	_ =	shalt  }
0x54: {  	_ =	shalt  }
0x55: {  	_ =	shalt  }
0x56: {  	_ =	shalt  }
0x57: {  	_ =	shalt  }
0x58: {  	_ =	shalt  }
0x59: {  	_ =	shalt  }
0x5a: {  	_ =	shalt  }
0x5b: {  	_ =	shalt  }
0x5c: {  	_ =	shalt  }
0x5d: {  	_ =	shalt  }
0x5e: {  	_ =	shalt  }
0x5f: {  	_ =	shalt  }
0x60: {  	_ =	shalt  }
0x61: {  	_ =	shalt  }
0x62: {  	_ =	shalt  }
0x63: {  	_ =	shalt  }
0x64: {  	_ =	shalt  }
0x65: {  	_ =	shalt  }
0x66: {  	_ =	shalt  }
0x67: {  	_ =	shalt  }
0x68: {  	_ =	shalt  }
0x69: {  	_ =	shalt  }
0x6a: {  	_ =	shalt  }
0x6b: {  	_ =	shalt  }
0x6c: {  	_ =	shalt  }
0x6d: {  	_ =	shalt  }
0x6e: {  	_ =	shalt  }
0x6f: {  	_ =	shalt  }
0x70: {  	_ =	shalt  }
0x71: {  	_ =	shalt  }
0x72: {  	_ =	shalt  }
0x73: {  	_ =	shalt  }
0x74: {  	_ =	shalt  }
0x75: {  	_ =	shalt  }
0x76: {  	_ =	shalt  }
0x77: {  	_ =	shalt  }
0x78: {  	_ =	shalt  }
0x79: {  	_ =	shalt  }
0x7a: {  	_ =	shalt  }
0x7b: {  	_ =	shalt  }
0x7c: {  	_ =	shalt  }
0x7d: {  	_ =	shalt  }
0x7e: {  	_ =	shalt  }
0x7f: {  	_ =	shalt  }
0x80: {  	_ =	shalt  }
0x81: {  	_ =	shalt  }
0x82: {  	_ =	shalt  }
0x83: {  	_ =	shalt  }
0x84: {  	_ =	shalt  }
0x85: {  	_ =	shalt  }
0x86: {  	_ =	shalt  }
0x87: {  	_ =	shalt  }
.Lfunc_end0:
.L_simem_size_0:
called_computation_lowered:
.L_overlay_start_0:
0x88: {  	s2 =	sld [smem:$0x3FD9]  }
0x89: {  	s3 =	sld [smem:$0x3FFE];
	_ =	sdelay $0x1  }
0x8a: {  	s1 =	srdreg.scid  }
0x8b: {  	s0 =	sand.u32 $0x1, s1  }
0x8c: {  	s17 =	sshll.u32 s0, $0xA;
	s2 =	sadd.s32 s3, s2  }
0x8d: {  	s2 =	sadd.s32 s2, s17  }
0x8e: {  	[smem:$0x3FAD] =	sst s2  }
0x8f: {  	_ = 	snop  }
0x90: {  	s2 =	sld [smem:$0x3FC9];
	(tm) =	ssettm $0x1  }
0x91: {  	s18 =	sld [smem:$0x3FFB];
	_ =	sdelay $0x3  }
0x92: {  	_ =	strace s18  }
0x93: {  	s3 =	sld [smem:$0x3FFC];
	_ =	sdelay $0x3  }
0x94: {  	_ =	strace s3  }
0x95: {  	s3 =	sld [smem:$0x3FFD];
	_ =	sdelay $0x3  }
0x96: {  	_ =	strace s3  }
0x97: {  	_ =	strace $0x8FFFFFFF  }
0x98: {  	s19 =	sld [smem:$0x3FDB];
	_ =	sdelay $0x1  }
0x99: {  	s4 =	simm.s32 $_scs_section_size  }
0x9a: {  	s5 =	simm.s32 $_size__tile_overlayer_lowered;
	s6 =	simm.s32 $_tile_overlayer_lowered  }
0x9b: {  	s22 =	simm.s32 $0x1BFF;
	s21 =	sshll.u32 s6, $0x1;
	s3 =	sadd.s32 s4, s19  }
0x9c: {  	s7 =	simm.s32 $0x0;
	s20 =	sshll.u32 s5, $0x1;
	s5 =	sadd.s32 s21, s3  }
0x9d: {  	[timem:s7], [sflag:s22] =	dma.local [hbm:s5], s20  }
0x9e: {  	_ =	swait.ge [sflag:s22], s20  }
0x9f: {  	s4 =	ssub.s32 $0x0, s20;
	[sflag:s22] =	ssyncset.done $0x0  }
0xa0: {  	[sflag:s22] =	ssyncadd.s32 s4;
	_ =	sdelay $0x1  }
0xa1: {  	s23 =	simm.s32 $0x1B8B  }
0xa2: {  	_ =	swait.ge [sflag:s23], $0x1  }
0xa3: {  	[sflag:s23] =	ssyncset.done $0x0  }
0xa4: {  	s25 =	simm.s32 $0x1B8E;
	s24 =	sld [smem:$0x3FFE];
	[sflag:s23] =	ssyncadd.s32 $0xFFFFFFFF  }
0xa5: {  	s26 =	simm.s32 $execute0_lowered;
	[smem:$0x3FD2] =	sst s25  }
0xa6: {  	s5 =	sshll.u32 s26, $0x1;
	_ =	strace $0x80000046;
	[dreg:$0x1] =	wrdreg $0xFFFFFFFF  }
0xa7: {  	s28 =	simm.s32 $_size_execute0_lowered;
	s3 =	sadd.s32 s3, s5;
	[dreg:$0x0] =	wrdreg $0x0  }
0xa8: {  	s5 =	sshll.u32 s28, $0x1;
	[dreg:$0x2] =	wrdreg s3  }
0xa9: {  	[dreg:$0x3] =	wrdreg s5  }
0xaa: {  	[dreg:$0x4] =	wrdreg $0xC0  }
0xab: {  	_ =	task [dreg:s7], $0x5FFFF  }
0xac: {  	[dreg:$0x1] =	wrdreg $0xFFFFFFFF  }
0xad: {  	[dreg:$0x0] =	wrdreg $0x60  }
0xae: {  	[dreg:$0x2] =	wrdreg s2  }
0xaf: {  	[dreg:$0x3] =	wrdreg s24  }
0xb0: {  	[dreg:$0x4] =	wrdreg $0xA8000  }
0xb1: {  	[dreg:$0x5] =	wrdreg $0x9  }
0xb2: {  	_ =	task.clear_ibuf [dreg:s7], $0x6FFFF;
	_ =	strace $0x90000046  }
0xb3: {  	s29 =	simm.s32 $0x9;
	_ =	strace $0x80000048  }
0xb4: {  	_ =	swait.ge [sflag:s29], $0x1  }
0xb5: {  	[sflag:s29] =	ssyncadd.s32 $0xFFFFFFFF  }
0xb6: {  	_ =	strace $0x90000048  }
0xb7: {  	_ =	sfence  }
0xb8: {  	s30 =	sld [smem:$0x0];
	_ =	sdelay $0x2  }
0xb9: {  	s31 =	sshll.u32 s1, $0xD;
	s1 =	sshrl.u32 s1, $0x2  }
0xba: {  	s3 =	sand.u32 $0x4000, s31;
	s1 =	sadd.s32 s1, s30  }
0xbb: {  	s0 =	sor.u32 s3, s0;
	s1 =	sshll.u32 s1, $0x11  }
0xbc: {  	s0 =	sor.u32 s1, s0  }
0xbd: {  	s0 =	sadd.s32 $0x8F2B, s0  }
0xbe: {  	[sflag:s0] =	ssyncadd.remote.s32 $0x1  }
0xbf: {  	_ =	sfence.sel $0xFFFF  }
0xc0: {  	[dreg:$0x0] =	wrdreg $0xFFFFFFFF;
	(pc) =	sbr.abs _section_cstart, $3  }
0xc1: {  	[dreg:$0x1] =	wrdreg $0xFFFFFFFF  }
0xc2: {  	_ =	task.clear_ibuf [dreg:s7], $0x2FFFF;
	_ =	strace $0x9FFFFFFF  }
0xc3: {  	(tm) =	ssettm $0x7FFFFFFF  }
tec
execute0_lowered:
.L_overlay_start_1:
0x0: {  	(tag) =	ssettag $0x1  }
0x1: {  	s0 =	rddreg [dreg:$0x0]  }
0x2: {  	s5 =	rddreg [dreg:$0x1];
	s1 =	srdreg.scid  }
0x3: {  	s3 =	rddreg [dreg:$0x2];
	s2 =	stileid.u32;
	s4 =	simm.s32 $0x0  }
0x4: {  	s17 =	simm.s32 $0x5;
	s18 =	simm.s32 $0x1400;
	s19 =	simm.s32 $0x80  }
0x5: {  	s20 =	simm.s32 $0x1;
	s21 =	simm.s32 $0x6800;
	s22 =	simm.s32 $0x2  }
0x6: {  	s23 =	simm.s32 $0x3;
	s24 =	simm.s32 $0x100;
	s25 =	simm.s32 $0x1480  }
0x7: {  	s28 =	simm.s32 $0x0;
	s6 =	sand.u32 $0x1, s1;
	s1 =	rddreg [dreg:$0x3]  }
0x8: {  	s8 =	smul.u32 $0x14000, s2;
	[smem:$0x7FF] =	sst s4;
	s14 =	sadd.s32 $0x4800, s5  }
0x9: {  	s15 =	sadd.s32 $0xE800, s5;
	s26 =	smul.u32 $0x50000, s2;
	s30 =	sshll.u32 s2, $0x1  }
0xa: {  	s7 =	smul.u32 $0x140000, s6;
	s29 =	ssub.s32 $0x2, s6;
	s6 =	sor.u32 s6, s30  }
0xb: {  	_ =	strace $0x80000047;
	s9 =	sshrl.u32 s29, $0x1;
	s12 =	smul.u32 $0x2800, s6  }
0xc: {  	s31 =	sshrl.u32 s26, $0x2;
	s26 =	simm.s32 $0x4;
	s7 =	sadd.s32 s8, s7  }
0xd: {  	s11 =	ssub.s32 s29, s9;
	s7 =	sshrl.u32 s7, $0x3;
	s13 =	sshrl.u32 s12, $0x3  }
.Ltmp0:
0xe: {  	s11 =	smax.u32 s11, $0x1;
	s10 =	sadd.s32 s7, s5;
	(pc) =	sbr.rel .LBB2_1-.Ltmp0, $4  }
0xf: {  	s5 =	sadd.s32 s31, s3;
	s12 =	sadd.s32 s14, s13;
	s16 =	sadd.s32 $0x280, s13  }
0x10: {  	s13 =	sadd.s32 s15, s13;
	s6 =	sadd.s32 $0x4000, s5;
	s7 =	sadd.s32 $0x8000, s5  }
0x11: {  	s8 =	sadd.s32 $0xC000, s5;
	s9 =	sadd.s32 $0x10000, s5;
	s10 =	sadd.s32 $0x18800, s10  }
0x12: {  	v0 =	vimm.f32 $0.0e+00;
	s14 =	sadd.s32 s14, s16;
	s15 =	sadd.s32 s15, s16;
	s16 =	simm.s32 $0x2800  }
.LBB2_9:
0x13: {  	[spmem:s3] =	stream.indirect.scatter.add.f32 [tilespmem:s21], [sflag:$0x4], $0x80, s31, s19, $0xb8;
	[tilespmem:$0x1E800] =	vst v63  }
0x14: {  	_ =	swait.ge [sflag:s26], $0x4000  }
0x15: {  	s29 =	sshll.u32 s2, $0x6;
	s28 =	sadd.s32 $0x1, s28;
	[sflag:s26] =	ssyncset.done $0x0  }
0x16: {  	s30 =	sshrl.u32 s5, $0x3;
	p0 =	sne.s32 s28, s11;
	[sflag:s26] =	ssyncadd.s32 $0xFFFFC000  }
.Ltmp1:
0x17: {  	s29 =	sor.u32 $0x1C05, s29;
	[bflag:$0x0] =	sbarrier.arrive $0xFFFF;
	(pc) =	sbr.rel @!p0 .LBB2_10-.Ltmp1, $4  }
0x18: {  	[hbm:s10], [sflag:s29] =	dma.local [spmem:s30], $0x2800  }
0x19: {  	_ =	swait.ge [sflag:s17], $0x2800  }
0x1a: {  	[sflag:s17] =	ssyncset.done $0x0  }
0x1b: {  	[sflag:s17] =	ssyncadd.s32 $0xFFFFD800  }
.LBB2_1:
0x1c: {  	s29 =	simm.s32 $0x0;
	s30 =	simm.s32 $0x200  }
.LBB2_2:
0x1d: {  	p0 =	sne.s32 s30, $0xFE00;
	[tilespmem:s29+$0x2870] =	vst v0  }
0x1e: {  	[tilespmem:s29+$0x2800] =	vst v0  }
0x1f: {  	[tilespmem:s29+$0x2810] =	vst v0  }
.Ltmp2:
0x20: {  	[tilespmem:s29+$0x2820] =	vst v0;
	(pc) =	sbr.rel @p0 .LBB2_2-.Ltmp2, $4  }
0x21: {  	[tilespmem:s29+$0x2830] =	vst v0  }
0x22: {  	[tilespmem:s29+$0x2840] =	vst v0  }
0x23: {  	[tilespmem:s29+$0x2850] =	vst v0  }
0x24: {  	[tilespmem:s29+$0x2860] =	vst v0;
	s29 =	sshra.s32 s30, $0x2;
	s30 =	sadd.s32 $0x200, s30  }
0x25: {  	[tilespmem:s29+$0x2870] =	vst v0  }
0x26: {  	[tilespmem:s29+$0x2800] =	vst v0  }
0x27: {  	[tilespmem:s29+$0x2810] =	vst v0  }
0x28: {  	[tilespmem:s29+$0x2820] =	vst v0  }
0x29: {  	[tilespmem:s29+$0x2830] =	vst v0  }
0x2a: {  	[tilespmem:s29+$0x2840] =	vst v0  }
0x2b: {  	[tilespmem:s29+$0x2850] =	vst v0  }
0x2c: {  	[tilespmem:s29+$0x2860] =	vst v0  }
0x2d: {  	[spmem:s5] =	stream.linear.scatter [tilespmem:s16], [sflag:$0x5], $0x4000, $0x38;
	[tilespmem:$0x1E800] =	vst v63  }
0x2e: {  	_ =	swait.ge [sflag:s17], $0x4000  }
0x2f: {  	[sflag:s17] =	ssyncset.done $0x0  }
0x30: {  	[sflag:s17] =	ssyncadd.s32 $0xFFFFC000  }
0x31: {  	[spmem:s6] =	stream.linear.scatter [tilespmem:s16], [sflag:$0x5], $0x4000, $0x38;
	[tilespmem:$0x1E800] =	vst v63  }
0x32: {  	_ =	swait.ge [sflag:s17], $0x4000  }
0x33: {  	[sflag:s17] =	ssyncset.done $0x0  }
0x34: {  	[sflag:s17] =	ssyncadd.s32 $0xFFFFC000  }
0x35: {  	[spmem:s7] =	stream.linear.scatter [tilespmem:s16], [sflag:$0x5], $0x4000, $0x38;
	[tilespmem:$0x1E800] =	vst v63  }
0x36: {  	_ =	swait.ge [sflag:s17], $0x4000  }
0x37: {  	[sflag:s17] =	ssyncset.done $0x0  }
0x38: {  	[sflag:s17] =	ssyncadd.s32 $0xFFFFC000  }
0x39: {  	[spmem:s8] =	stream.linear.scatter [tilespmem:s16], [sflag:$0x5], $0x4000, $0x38;
	[tilespmem:$0x1E800] =	vst v63  }
0x3a: {  	_ =	swait.ge [sflag:s17], $0x4000  }
0x3b: {  	[sflag:s17] =	ssyncset.done $0x0  }
0x3c: {  	[sflag:s17] =	ssyncadd.s32 $0xFFFFC000  }
0x3d: {  	[spmem:s9] =	stream.linear.scatter [tilespmem:s16], [sflag:$0x5], $0x4000, $0x38;
	[tilespmem:$0x1E800] =	vst v63  }
0x3e: {  	_ =	swait.ge [sflag:s17], $0x4000  }
0x3f: {  	[sflag:s17] =	ssyncset.done $0x0  }
0x40: {  	[sflag:s17] =	ssyncadd.s32 $0xFFFFC000  }
0x41: {  	[bflag:$0x0] =	sbarrier.arrive $0xFFFF  }
0x42: {  	[tilespmem:s4], [sflag:$0x5] =	stream.linear.gather [hbm4b:s12+s4], $0x1400, $0x38;
	[tilespmem:$0x1E800] =	vst v63  }
0x43: {  	_ =	swait.ge [sflag:s17], $0x1400  }
0x44: {  	[sflag:s17] =	ssyncset.done $0x0  }
0x45: {  	[sflag:s17] =	ssyncadd.s32 $0xFFFFEC00  }
0x46: {  	[tilespmem:s18], [sflag:$0x5] =	stream.linear.gather [hbm4b:s13+s4], $0x1400, $0x38;
	[tilespmem:$0x1E800] =	vst v63  }
0x47: {  	_ =	swait.ge [sflag:s17], $0x1400  }
0x48: {  	[sflag:s17] =	ssyncset.done $0x0  }
0x49: {  	[sflag:s17] =	ssyncadd.s32 $0xFFFFEC00  }
0x4a: {  	[tilespmem:s16], [sflag:$0x1] =	stream.indirect.gather [hbm4b:s0+s19], $0x80, s4, s19, $0xb8;
	[tilespmem:$0x1E800] =	vst v63  }
0x4b: {  	_ =	swait.ge [sflag:s20], $0x4000  }
0x4c: {  	[sflag:s20] =	ssyncset.done $0x0  }
0x4d: {  	[sflag:s20] =	ssyncadd.s32 $0xFFFFC000  }
0x4e: {  	[tilespmem:s21], [sflag:$0x2] =	stream.indirect.gather [hbm4b:s0+s19], $0x80, s19, s19, $0xb8;
	[tilespmem:$0x1E800] =	vst v63  }
0x4f: {  	_ = 	snop  }
0x50: {  	[spmem:s3] =	stream.indirect.scatter.add.f32 [tilespmem:s16], [sflag:$0x3], $0x80, s18, s19, $0xb8;
	[tilespmem:$0x1E800] =	vst v63  }
0x51: {  	_ =	swait.ge [sflag:s22], $0x4000  }
0x52: {  	[sflag:s22] =	ssyncset.done $0x0  }
0x53: {  	[sflag:s22] =	ssyncadd.s32 $0xFFFFC000  }
0x54: {  	_ =	swait.ge [sflag:s23], $0x4000  }
0x55: {  	[sflag:s23] =	ssyncset.done $0x0  }
0x56: {  	[sflag:s23] =	ssyncadd.s32 $0xFFFFC000  }
0x57: {  	[tilespmem:s16], [sflag:$0x1] =	stream.indirect.gather [hbm4b:s0+s19], $0x80, s24, s19, $0xb8;
	[tilespmem:$0x1E800] =	vst v63  }
0x58: {  	s29 =	simm.s32 $0xFFFFB800  }
0x59: {  	[spmem:s3] =	stream.indirect.scatter.add.f32 [tilespmem:s21], [sflag:$0x4], $0x80, s25, s19, $0xb8;
	[tilespmem:$0x1E800] =	vst v63  }
.LBB2_4:
0x5a: {  	_ =	swait.ge [sflag:s20], $0x4000  }
0x5b: {  	[sflag:s20] =	ssyncset.done $0x0  }
0x5c: {  	[sflag:s20] =	ssyncadd.s32 $0xFFFFC000  }
0x5d: {  	_ =	swait.ge [sflag:s26], $0x4000  }
0x5e: {  	s30 =	sshra.s32 s29, $0x2;
	[sflag:s26] =	ssyncset.done $0x0  }
0x5f: {  	s31 =	sadd.s32 $0x1380, s30;
	[sflag:s26] =	ssyncadd.s32 $0xFFFFC000  }
0x60: {  	[tilespmem:s21], [sflag:$0x2] =	stream.indirect.gather [hbm4b:s0+s19], $0x80, s31, s19, $0xb8;
	[tilespmem:$0x1E800] =	vst v63  }
0x61: {  	s31 =	sadd.s32 $0x2700, s30  }
0x62: {  	[spmem:s3] =	stream.indirect.scatter.add.f32 [tilespmem:s16], [sflag:$0x3], $0x80, s31, s19, $0xb8;
	[tilespmem:$0x1E800] =	vst v63  }
0x63: {  	p0 =	seq.s32 s29, $0x0;
	_ =	swait.ge [sflag:s22], $0x4000  }
.Ltmp3:
0x64: {  	[sflag:s22] =	ssyncset.done $0x0;
	(pc) =	sbr.rel @p0 .LBB2_6-.Ltmp3, $4  }
0x65: {  	[sflag:s22] =	ssyncadd.s32 $0xFFFFC000  }
0x66: {  	_ =	swait.ge [sflag:s23], $0x4000  }
0x67: {  	[sflag:s23] =	ssyncset.done $0x0  }
0x68: {  	s31 =	sadd.s32 $0x2780, s30;
	[sflag:s23] =	ssyncadd.s32 $0xFFFFC000  }
.Ltmp4:
0x69: {  	(pc) =	sbr.rel .LBB2_4-.Ltmp4, $4  }
0x6a: {  	s30 =	sadd.s32 $0x1400, s30  }
0x6b: {  	[tilespmem:s16], [sflag:$0x1] =	stream.indirect.gather [hbm4b:s0+s19], $0x80, s30, s19, $0xb8;
	[tilespmem:$0x1E800] =	vst v63  }
0x6c: {  	s29 =	sadd.s32 $0x400, s29  }
0x6d: {  	[spmem:s3] =	stream.indirect.scatter.add.f32 [tilespmem:s21], [sflag:$0x4], $0x80, s31, s19, $0xb8;
	[tilespmem:$0x1E800] =	vst v63  }
.LBB2_6:
0x6e: {  	[spmem:s3] =	stream.indirect.scatter.add.f32 [tilespmem:s21], [sflag:$0x4], $0x80, s31, s19, $0xb8;
	[tilespmem:$0x1E800] =	vst v63  }
0x6f: {  	_ =	swait.ge [sflag:s26], $0x4000  }
0x70: {  	[sflag:s26] =	ssyncset.done $0x0  }
0x71: {  	[sflag:s26] =	ssyncadd.s32 $0xFFFFC000  }
0x72: {  	[tilespmem:s4], [sflag:$0x5] =	stream.linear.gather [hbm4b:s14+s4], $0x1400, $0x38;
	[tilespmem:$0x1E800] =	vst v63  }
0x73: {  	_ =	swait.ge [sflag:s17], $0x1400  }
0x74: {  	[sflag:s17] =	ssyncset.done $0x0  }
0x75: {  	[sflag:s17] =	ssyncadd.s32 $0xFFFFEC00  }
0x76: {  	[tilespmem:s18], [sflag:$0x5] =	stream.linear.gather [hbm4b:s15+s4], $0x1400, $0x38;
	[tilespmem:$0x1E800] =	vst v63  }
0x77: {  	_ =	swait.ge [sflag:s17], $0x1400  }
0x78: {  	[sflag:s17] =	ssyncset.done $0x0  }
0x79: {  	[sflag:s17] =	ssyncadd.s32 $0xFFFFEC00  }
0x7a: {  	[tilespmem:s16], [sflag:$0x1] =	stream.indirect.gather [hbm4b:s0+s19], $0x80, s4, s19, $0xb8;
	[tilespmem:$0x1E800] =	vst v63  }
0x7b: {  	_ =	swait.ge [sflag:s20], $0x4000  }
0x7c: {  	[sflag:s20] =	ssyncset.done $0x0  }
0x7d: {  	[sflag:s20] =	ssyncadd.s32 $0xFFFFC000  }
0x7e: {  	[tilespmem:s21], [sflag:$0x2] =	stream.indirect.gather [hbm4b:s0+s19], $0x80, s19, s19, $0xb8;
	[tilespmem:$0x1E800] =	vst v63  }
0x7f: {  	_ = 	snop  }
0x80: {  	[spmem:s3] =	stream.indirect.scatter.add.f32 [tilespmem:s16], [sflag:$0x3], $0x80, s18, s19, $0xb8;
	[tilespmem:$0x1E800] =	vst v63  }
0x81: {  	_ =	swait.ge [sflag:s22], $0x4000  }
0x82: {  	[sflag:s22] =	ssyncset.done $0x0  }
0x83: {  	[sflag:s22] =	ssyncadd.s32 $0xFFFFC000  }
0x84: {  	_ =	swait.ge [sflag:s23], $0x4000  }
0x85: {  	[sflag:s23] =	ssyncset.done $0x0  }
0x86: {  	[sflag:s23] =	ssyncadd.s32 $0xFFFFC000  }
0x87: {  	[tilespmem:s16], [sflag:$0x1] =	stream.indirect.gather [hbm4b:s0+s19], $0x80, s24, s19, $0xb8;
	[tilespmem:$0x1E800] =	vst v63  }
0x88: {  	s29 =	simm.s32 $0xFFFFB800  }
0x89: {  	[spmem:s3] =	stream.indirect.scatter.add.f32 [tilespmem:s21], [sflag:$0x4], $0x80, s25, s19, $0xb8;
	[tilespmem:$0x1E800] =	vst v63  }
.LBB2_7:
0x8a: {  	_ =	swait.ge [sflag:s20], $0x4000  }
0x8b: {  	[sflag:s20] =	ssyncset.done $0x0  }
0x8c: {  	[sflag:s20] =	ssyncadd.s32 $0xFFFFC000  }
0x8d: {  	_ =	swait.ge [sflag:s26], $0x4000  }
0x8e: {  	s30 =	sshra.s32 s29, $0x2;
	[sflag:s26] =	ssyncset.done $0x0  }
0x8f: {  	s31 =	sadd.s32 $0x1380, s30;
	[sflag:s26] =	ssyncadd.s32 $0xFFFFC000  }
0x90: {  	[tilespmem:s21], [sflag:$0x2] =	stream.indirect.gather [hbm4b:s0+s19], $0x80, s31, s19, $0xb8;
	[tilespmem:$0x1E800] =	vst v63  }
0x91: {  	s31 =	sadd.s32 $0x2700, s30  }
0x92: {  	[spmem:s3] =	stream.indirect.scatter.add.f32 [tilespmem:s16], [sflag:$0x3], $0x80, s31, s19, $0xb8;
	[tilespmem:$0x1E800] =	vst v63  }
0x93: {  	p0 =	seq.s32 s29, $0x0;
	_ =	swait.ge [sflag:s22], $0x4000  }
.Ltmp5:
0x94: {  	[sflag:s22] =	ssyncset.done $0x0;
	(pc) =	sbr.rel @p0 .LBB2_9-.Ltmp5, $4  }
0x95: {  	[sflag:s22] =	ssyncadd.s32 $0xFFFFC000  }
0x96: {  	_ =	swait.ge [sflag:s23], $0x4000  }
0x97: {  	[sflag:s23] =	ssyncset.done $0x0  }
0x98: {  	s31 =	sadd.s32 $0x2780, s30;
	[sflag:s23] =	ssyncadd.s32 $0xFFFFC000  }
.Ltmp6:
0x99: {  	(pc) =	sbr.rel .LBB2_7-.Ltmp6, $4  }
0x9a: {  	s30 =	sadd.s32 $0x1400, s30  }
0x9b: {  	[tilespmem:s16], [sflag:$0x1] =	stream.indirect.gather [hbm4b:s0+s19], $0x80, s30, s19, $0xb8;
	[tilespmem:$0x1E800] =	vst v63  }
0x9c: {  	s29 =	sadd.s32 $0x400, s29  }
0x9d: {  	[spmem:s3] =	stream.indirect.scatter.add.f32 [tilespmem:s21], [sflag:$0x4], $0x80, s31, s19, $0xb8;
	[tilespmem:$0x1E800] =	vst v63  }
.LBB2_10:
0x9e: {  	_ =	sfence.sel $0x180000  }
0x9f: {  	[bflag:$0x0] =	sbarrier.arrive $0xFFFF  }
0xa0: {  	p0 =	sne.s32 s2, $0x0;
	_ =	strace $0x90000047  }
0xa1: {  	s0 =	sadd.s32 @!p0 $0x100000, s1;
	[bflag:$0x2] =	sbarrier.arrive $0xFFFF  }
0xa2: {  	[sflag:s0] =	ssyncadd.tile.s32 @!p0 $0x1;
	_ =	shalt  }
.Lfunc_end2:
_tile_overlayer_lowered:
.L_overlay_start_2:
0xa3: {  	(tag) =	ssettag $0x2  }
0xa4: {  	s0 =	rddreg [dreg:$0x0];
	s2 =	stileid.u32  }
0xa5: {  	s1 =	rddreg [dreg:$0x1];
	p0 =	sne.s32 s2, $0x0  }
0xa6: {  	s3 =	rddreg [dreg:$0x2];
	[bflag:$0x3] =	sbarrier.arrive $0xFFFF;
	s2 =	simm.s32 @!p0 $0x1C05  }
0xa7: {  	[timem:s3], [sflag:s2] =	dma.local @!p0 [hbm:s0], s1  }
0xa8: {  	s0 =	simm.s32 @!p0 $0x5  }
0xa9: {  	_ =	swait.ge @!p0 [sflag:s0], s1  }
0xaa: {  	s1 =	ssub.s32 @!p0 $0x0, s1;
	[sflag:s0] =	ssyncset.done @!p0 $0x0  }
0xab: {  	[sflag:s0] =	ssyncadd.s32 @!p0 s1  }
0xac: {  	[bflag:$0x3] =	sbarrier.arrive $0xFFFF  }
0xad: {  	_ =	shalt  }

</sc_bundles>
